<compile_context>
chip_gen: v7x
topology: tpu7x:2x2x1
jax: 0.10.2.dev20260603
libtpu: 0.0.44.dev20260713+nightly
codegen_flags: <defaults>
</compile_context>

<pallas_src>
import jax
import jax.numpy as jnp
from jax import lax
from jax.experimental import pallas as pl
from jax.experimental.pallas import tpu as pltpu
from jax.experimental.pallas import tpu_sc as plsc

VOCAB = 1000
B = 4096
T = 20
NC = 2
NS = 16
NW = NC * NS
BPW = B // NW
NT = 8
MAIN = 896


def _gather_body(table_hbm, idx_hbm, out_hbm, tail_hbm, idx_v, bufa, bufb,
                 g0, g1, w0, w1):
    buf = (bufa, bufb)
    gsem = (g0, g1)
    wsem = (w0, w1)

    sid = lax.axis_index("s")
    wid = sid * NC + lax.axis_index("c")
    base = wid * BPW
    pltpu.sync_copy(idx_hbm.at[pl.ds(base, BPW)], idx_v)

    def gather(j, b):
        return pltpu.make_async_copy(
            table_hbm.at[idx_v.at[j]], buf[b], gsem[b]
        )

    def write_main(j, b):
        return pltpu.make_async_copy(
            buf[b].reshape(T, NT * 128).at[:, pl.ds(0, MAIN)],
            out_hbm.at[base + j, :, pl.ds(0, MAIN)],
            wsem[b],
        )

    def write_tail(j, b):
        return pltpu.make_async_copy(
            buf[b].reshape(T, NT * 128).at[:, pl.ds(MAIN, 128)],
            tail_hbm.at[base + j],
            wsem[b],
        )

    gather(0, 0).start()
    gather(1, 1).start()

    def group(g, carry):
        for b in range(2):
            j = 2 * g + b
            gather(j, b).wait()

            @pl.when(g >= 1)
            def _():
                write_main(j - 2, b).wait()
                write_tail(j - 2, b).wait()

            write_main(j, b).start()
            write_tail(j, b).start()

            @pl.when(g < BPW // 2 - 1)
            def _():
                gather(j + 2, b).start()
        return carry

    lax.fori_loop(0, BPW // 2, group, 0)
    for j, b in ((BPW - 2, 0), (BPW - 1, 1)):
        write_main(j, b).wait()
        write_tail(j, b).wait()


@jax.jit
def _run(idx, table3):
    mesh = plsc.VectorSubcoreMesh(core_axis_name="c", subcore_axis_name="s")
    out, tail = pl.kernel(
        _gather_body,
        out_type=(
            jax.ShapeDtypeStruct((B, T, VOCAB), jnp.float32),
            jax.ShapeDtypeStruct((B, T, 128), jnp.float32),
        ),
        mesh=mesh,
        scratch_types=[
            pltpu.VMEM((BPW, T), jnp.int32),
            pltpu.VMEM((T, NT, 128), jnp.float32),
            pltpu.VMEM((T, NT, 128), jnp.float32),
            pltpu.SemaphoreType.DMA,
            pltpu.SemaphoreType.DMA,
            pltpu.SemaphoreType.DMA,
            pltpu.SemaphoreType.DMA,
        ],
    )(table3, idx)
    return lax.dynamic_update_slice(
        out, lax.slice(tail, (0, 0, 0), (B, T, VOCAB - MAIN)), (0, 0, MAIN)
    )


def kernel(idx, token_embedding_table):
    table3 = jnp.pad(
        token_embedding_table, ((0, 0), (0, NT * 128 - VOCAB))
    ).reshape(VOCAB, NT, 128)
    return _run(idx, table3)

# --- scband reference (transcript-rebuilt; emitter-appended) ---
"""Pipeline reference for scband-bigram-language-model-31920196943964 (READ-ONLY COPY).

The authoritative reference and input builder live on the scoring server;
editing this copy changes nothing except your own understanding.
"""

import jax, jax.numpy as jnp
import numpy as np

VOCAB = 1000
B = 4096
T = 20


def setup_inputs(seed: int = 0) -> dict:
    key = jax.random.key(seed)
    k_idx, k_tab = jax.random.split(key)
    idx = jax.random.randint(k_idx, (B, T), 0, VOCAB, dtype=jnp.int32)
    token_embedding_table = jax.random.normal(k_tab, (VOCAB, VOCAB), dtype=jnp.float32)
    return {"idx": idx, "token_embedding_table": token_embedding_table}


def reference(idx, token_embedding_table):
    # BigramLanguageModel.forward with targets=None:
    # logits = self.token_embedding_table(idx) -> [B, T, C] gather, C == vocab_size
    logits = jnp.take(token_embedding_table, idx, axis=0)
    return logits

if __name__ == "__main__":
    import jax
    _d = setup_inputs()
    print(jax.jit(kernel)(*tuple(_d.values())))

</pallas_src>

<mosaic_0001>
#map = affine_map<(d0, d1) -> (0, 0, 0)>
#map1 = affine_map<(d0, d1) -> (0, 0)>
module attributes {stable_mosaic.version = 14 : i64} {
  func.func @_gather_body(%arg0: i32, %arg1: i32, %arg2: memref<1000x8x128xf32, #tpu.memory_space<hbm>>, %arg3: memref<4096x20xi32, #tpu.memory_space<hbm>>, %arg4: memref<4096x20x1000xf32, #tpu.memory_space<hbm>>, %arg5: memref<4096x20x128xf32, #tpu.memory_space<hbm>>, %arg6: memref<128x20xi32, #tpu.memory_space<vmem>>, %arg7: memref<20x8x128xf32, #tpu.memory_space<vmem>>, %arg8: memref<20x8x128xf32, #tpu.memory_space<vmem>>, %arg9: memref<!tpu.dma_semaphore, #tpu.memory_space<semaphore_mem>>, %arg10: memref<!tpu.dma_semaphore, #tpu.memory_space<semaphore_mem>>, %arg11: memref<!tpu.dma_semaphore, #tpu.memory_space<semaphore_mem>>, %arg12: memref<!tpu.dma_semaphore, #tpu.memory_space<semaphore_mem>>) attributes {dimension_semantics = [#tpu.dimension_semantics<core_parallel>, #tpu.dimension_semantics<subcore_parallel>], iteration_bounds = array<i64: 2, 16>, scalar_prefetch = 0 : i64, scratch_operands = 7 : i64, tpu.core_type = #tpu.core_type<sc_vector_subcore>, window_params = [{transform_indices = #map}, {transform_indices = #map1}, {transform_indices = #map}, {transform_indices = #map}]} {
    %mul3A = arith.constant 2 : i32
    %mul3A_0 = arith.muli %arg1, %mul3A : i32
    %add3A = arith.addi %mul3A_0, %arg0 : i32
    %mul3A_1 = arith.constant 128 : i32
    %mul3A_2 = arith.muli %add3A, %mul3A_1 : i32
    "tpu.region"() ({
      %run_scoped3A = tpu.sem_alloc : memref<!tpu.dma_semaphore, #tpu.memory_space<semaphore_mem>>
      %dma_start3A_94 = arith.constant 0 : i32
      %dma_start3A_95 = tpu.memref_slice %arg3[%mul3A_2, %dma_start3A_94] : memref<4096x20xi32, #tpu.memory_space<hbm>> -> memref<128x20xi32, #tpu.memory_space<hbm>>
      %dma_start3A_96 = arith.constant 0 : i32
      %dma_start3A_97 = tpu.memref_slice %arg3[%mul3A_2, %dma_start3A_96] : memref<4096x20xi32, #tpu.memory_space<hbm>> -> memref<128x20xi32, #tpu.memory_space<hbm>>
      tpu.enqueue_dma source(%dma_start3A_97 : memref<128x20xi32, #tpu.memory_space<hbm>>) target(%arg6 : memref<128x20xi32, #tpu.memory_space<vmem>>) target_semaphore(%run_scoped3A : memref<!tpu.dma_semaphore, #tpu.memory_space<semaphore_mem>>)
      %dma_wait3A_98 = arith.constant 0 : i32
      %dma_wait3A_99 = tpu.memref_slice %arg3[%mul3A_2, %dma_wait3A_98] : memref<4096x20xi32, #tpu.memory_space<hbm>> -> memref<128x20xi32, #tpu.memory_space<hbm>>
      %dma_wait3A_100 = arith.constant 0 : i32
      %dma_wait3A_101 = tpu.memref_slice %arg3[%mul3A_2, %dma_wait3A_100] : memref<4096x20xi32, #tpu.memory_space<hbm>> -> memref<128x20xi32, #tpu.memory_space<hbm>>
      tpu.wait_dma2 semaphore(%run_scoped3A : memref<!tpu.dma_semaphore, #tpu.memory_space<semaphore_mem>>) src(%dma_wait3A_101 : memref<128x20xi32, #tpu.memory_space<hbm>>) dst(%arg6 : memref<128x20xi32, #tpu.memory_space<vmem>>)
      tpu.yield
    }) : () -> ()
    %dma_start3A = arith.constant 0 : i32
    %dma_start3A_3 = arith.constant 0 : i32
    %dma_start3A_4 = tpu.memref_slice %arg6[%dma_start3A, %dma_start3A_3] : memref<128x20xi32, #tpu.memory_space<vmem>> -> memref<1x20xi32, #tpu.memory_space<vmem>>
    %dma_start3A_5 = tpu.memref_squeeze %dma_start3A_4 : memref<1x20xi32, #tpu.memory_space<vmem>> -> memref<20xi32, #tpu.memory_space<vmem>>
    %dma_start3A_6 = arith.constant 0 : i32
    %dma_start3A_7 = arith.constant 0 : i32
    %dma_start3A_8 = arith.constant 0 : i32
    %dma_start3A_9 = tpu.memref_slice %arg2[%dma_start3A_6, %dma_start3A_7, %dma_start3A_8] : memref<1000x8x128xf32, #tpu.memory_space<hbm>> -> memref<1000x8x128xf32, #tpu.memory_space<hbm>>
    tpu.enqueue_indirect_dma source(%dma_start3A_9 : memref<1000x8x128xf32, #tpu.memory_space<hbm>>) target(%arg7 : memref<20x8x128xf32, #tpu.memory_space<vmem>>) offsets(%dma_start3A_5 : memref<20xi32, #tpu.memory_space<vmem>>) semaphore(%arg9 : memref<!tpu.dma_semaphore, #tpu.memory_space<semaphore_mem>>)
    %dma_start3A_10 = arith.constant 1 : i32
    %dma_start3A_11 = arith.constant 0 : i32
    %dma_start3A_12 = tpu.memref_slice %arg6[%dma_start3A_10, %dma_start3A_11] : memref<128x20xi32, #tpu.memory_space<vmem>> -> memref<1x20xi32, #tpu.memory_space<vmem>>
    %dma_start3A_13 = tpu.memref_squeeze %dma_start3A_12 : memref<1x20xi32, #tpu.memory_space<vmem>> -> memref<20xi32, #tpu.memory_space<vmem>>
    %dma_start3A_14 = arith.constant 0 : i32
    %dma_start3A_15 = arith.constant 0 : i32
    %dma_start3A_16 = arith.constant 0 : i32
    %dma_start3A_17 = tpu.memref_slice %arg2[%dma_start3A_14, %dma_start3A_15, %dma_start3A_16] : memref<1000x8x128xf32, #tpu.memory_space<hbm>> -> memref<1000x8x128xf32, #tpu.memory_space<hbm>>
    tpu.enqueue_indirect_dma source(%dma_start3A_17 : memref<1000x8x128xf32, #tpu.memory_space<hbm>>) target(%arg8 : memref<20x8x128xf32, #tpu.memory_space<vmem>>) offsets(%dma_start3A_13 : memref<20xi32, #tpu.memory_space<vmem>>) semaphore(%arg10 : memref<!tpu.dma_semaphore, #tpu.memory_space<semaphore_mem>>)
    %scan3A = arith.constant 0 : i32
    %scan3A_18 = arith.constant 0 : i32
    %scan3A_19 = arith.constant 64 : i32
    %scan3A_20 = arith.addi %scan3A_18, %scan3A_19 : i32
    %scan3A_21 = arith.constant 1 : i32
    scf.for %scan3A_94 = %scan3A_18 to %scan3A_20 step %scan3A_21  : i32 {
      %mul3A_95 = arith.constant 2 : i32
      %mul3A_96 = arith.muli %mul3A_95, %scan3A_94 : i32
      %add3A_97 = arith.constant 0 : i32
      %add3A_98 = arith.addi %mul3A_96, %add3A_97 : i32
      %dma_wait3A_99 = arith.constant 0 : i32
      %dma_wait3A_100 = tpu.memref_slice %arg6[%add3A_98, %dma_wait3A_99] : memref<128x20xi32, #tpu.memory_space<vmem>> -> memref<1x20xi32, #tpu.memory_space<vmem>>
      %dma_wait3A_101 = tpu.memref_squeeze %dma_wait3A_100 : memref<1x20xi32, #tpu.memory_space<vmem>> -> memref<20xi32, #tpu.memory_space<vmem>>
      %dma_wait3A_102 = arith.constant 0 : i32
      %dma_wait3A_103 = arith.constant 0 : i32
      %dma_wait3A_104 = arith.constant 0 : i32
      %dma_wait3A_105 = tpu.memref_slice %arg2[%dma_wait3A_102, %dma_wait3A_103, %dma_wait3A_104] : memref<1000x8x128xf32, #tpu.memory_space<hbm>> -> memref<1000x8x128xf32, #tpu.memory_space<hbm>>
      tpu.wait_indirect_dma semaphore(%arg9 : memref<!tpu.dma_semaphore, #tpu.memory_space<semaphore_mem>>) src(%dma_wait3A_105 : memref<1000x8x128xf32, #tpu.memory_space<hbm>>) dst(%arg7 : memref<20x8x128xf32, #tpu.memory_space<vmem>>)
      %ge3A = arith.constant 1 : i32
      %ge3A_106 = arith.cmpi sge, %scan3A_94, %ge3A : i32
      %convert_element_type3A = arith.extui %ge3A_106 : i1 to i32
      %cond3A = arith.constant 0 : i32
      %cond3A_107 = arith.cmpi ne, %convert_element_type3A, %cond3A : i32
      scf.if %cond3A_107 {
        %sub3A = arith.constant 2 : i32
        %sub3A_201 = arith.subi %add3A_98, %sub3A : i32
        %add3A_202 = arith.addi %mul3A_2, %sub3A_201 : i32
        %dma_wait3A_203 = tpu.memref_reshape %arg7 : memref<20x8x128xf32, #tpu.memory_space<vmem>> -> memref<20x1024xf32, #tpu.memory_space<vmem>>
        %dma_wait3A_204 = arith.constant 0 : i32
        %dma_wait3A_205 = arith.constant 0 : i32
        %dma_wait3A_206 = tpu.memref_slice %dma_wait3A_203[%dma_wait3A_204, %dma_wait3A_205] : memref<20x1024xf32, #tpu.memory_space<vmem>> -> memref<20x896xf32, #tpu.memory_space<vmem>>
        %dma_wait3A_207 = arith.constant 0 : i32
        %dma_wait3A_208 = arith.constant 0 : i32
        %dma_wait3A_209 = tpu.memref_slice %arg4[%add3A_202, %dma_wait3A_207, %dma_wait3A_208] : memref<4096x20x1000xf32, #tpu.memory_space<hbm>> -> memref<1x20x896xf32, #tpu.memory_space<hbm>>
        %dma_wait3A_210 = tpu.memref_squeeze %dma_wait3A_209 : memref<1x20x896xf32, #tpu.memory_space<hbm>> -> memref<20x896xf32, #tpu.memory_space<hbm>>
        %dma_wait3A_211 = arith.constant 0 : i32
        %dma_wait3A_212 = arith.constant 0 : i32
        %dma_wait3A_213 = tpu.memref_slice %arg4[%add3A_202, %dma_wait3A_211, %dma_wait3A_212] : memref<4096x20x1000xf32, #tpu.memory_space<hbm>> -> memref<1x20x896xf32, #tpu.memory_space<hbm>>
        %dma_wait3A_214 = tpu.memref_squeeze %dma_wait3A_213 : memref<1x20x896xf32, #tpu.memory_space<hbm>> -> memref<20x896xf32, #tpu.memory_space<hbm>>
        %dma_wait3A_215 = tpu.memref_reshape %arg7 : memref<20x8x128xf32, #tpu.memory_space<vmem>> -> memref<20x1024xf32, #tpu.memory_space<vmem>>
        %dma_wait3A_216 = arith.constant 0 : i32
        %dma_wait3A_217 = arith.constant 0 : i32
        %dma_wait3A_218 = tpu.memref_slice %dma_wait3A_215[%dma_wait3A_216, %dma_wait3A_217] : memref<20x1024xf32, #tpu.memory_space<vmem>> -> memref<20x896xf32, #tpu.memory_space<vmem>>
        tpu.wait_dma2 semaphore(%arg11 : memref<!tpu.dma_semaphore, #tpu.memory_space<semaphore_mem>>) src(%dma_wait3A_218 : memref<20x896xf32, #tpu.memory_space<vmem>>) dst(%dma_wait3A_214 : memref<20x896xf32, #tpu.memory_space<hbm>>)
        %sub3A_219 = arith.constant 2 : i32
        %sub3A_220 = arith.subi %add3A_98, %sub3A_219 : i32
        %add3A_221 = arith.addi %mul3A_2, %sub3A_220 : i32
        %dma_wait3A_222 = tpu.memref_reshape %arg7 : memref<20x8x128xf32, #tpu.memory_space<vmem>> -> memref<20x1024xf32, #tpu.memory_space<vmem>>
        %dma_wait3A_223 = arith.constant 0 : i32
        %dma_wait3A_224 = arith.constant 896 : i32
        %dma_wait3A_225 = tpu.memref_slice %dma_wait3A_222[%dma_wait3A_223, %dma_wait3A_224] : memref<20x1024xf32, #tpu.memory_space<vmem>> -> memref<20x128xf32, #tpu.memory_space<vmem>>
        %dma_wait3A_226 = arith.constant 0 : i32
        %dma_wait3A_227 = arith.constant 0 : i32
        %dma_wait3A_228 = tpu.memref_slice %arg5[%add3A_221, %dma_wait3A_226, %dma_wait3A_227] : memref<4096x20x128xf32, #tpu.memory_space<hbm>> -> memref<1x20x128xf32, #tpu.memory_space<hbm>>
        %dma_wait3A_229 = tpu.memref_squeeze %dma_wait3A_228 : memref<1x20x128xf32, #tpu.memory_space<hbm>> -> memref<20x128xf32, #tpu.memory_space<hbm>>
        %dma_wait3A_230 = arith.constant 0 : i32
        %dma_wait3A_231 = arith.constant 0 : i32
        %dma_wait3A_232 = tpu.memref_slice %arg5[%add3A_221, %dma_wait3A_230, %dma_wait3A_231] : memref<4096x20x128xf32, #tpu.memory_space<hbm>> -> memref<1x20x128xf32, #tpu.memory_space<hbm>>
        %dma_wait3A_233 = tpu.memref_squeeze %dma_wait3A_232 : memref<1x20x128xf32, #tpu.memory_space<hbm>> -> memref<20x128xf32, #tpu.memory_space<hbm>>
        %dma_wait3A_234 = tpu.memref_reshape %arg7 : memref<20x8x128xf32, #tpu.memory_space<vmem>> -> memref<20x1024xf32, #tpu.memory_space<vmem>>
        %dma_wait3A_235 = arith.constant 0 : i32
        %dma_wait3A_236 = arith.constant 896 : i32
        %dma_wait3A_237 = tpu.memref_slice %dma_wait3A_234[%dma_wait3A_235, %dma_wait3A_236] : memref<20x1024xf32, #tpu.memory_space<vmem>> -> memref<20x128xf32, #tpu.memory_space<vmem>>
        tpu.wait_dma2 semaphore(%arg11 : memref<!tpu.dma_semaphore, #tpu.memory_space<semaphore_mem>>) src(%dma_wait3A_237 : memref<20x128xf32, #tpu.memory_space<vmem>>) dst(%dma_wait3A_233 : memref<20x128xf32, #tpu.memory_space<hbm>>)
      } else {
      }
      %add3A_108 = arith.addi %mul3A_2, %add3A_98 : i32
      %dma_start3A_109 = tpu.memref_reshape %arg7 : memref<20x8x128xf32, #tpu.memory_space<vmem>> -> memref<20x1024xf32, #tpu.memory_space<vmem>>
      %dma_start3A_110 = arith.constant 0 : i32
      %dma_start3A_111 = arith.constant 0 : i32
      %dma_start3A_112 = tpu.memref_slice %dma_start3A_109[%dma_start3A_110, %dma_start3A_111] : memref<20x1024xf32, #tpu.memory_space<vmem>> -> memref<20x896xf32, #tpu.memory_space<vmem>>
      %dma_start3A_113 = arith.constant 0 : i32
      %dma_start3A_114 = arith.constant 0 : i32
      %dma_start3A_115 = tpu.memref_slice %arg4[%add3A_108, %dma_start3A_113, %dma_start3A_114] : memref<4096x20x1000xf32, #tpu.memory_space<hbm>> -> memref<1x20x896xf32, #tpu.memory_space<hbm>>
      %dma_start3A_116 = tpu.memref_squeeze %dma_start3A_115 : memref<1x20x896xf32, #tpu.memory_space<hbm>> -> memref<20x896xf32, #tpu.memory_space<hbm>>
      %dma_start3A_117 = arith.constant 0 : i32
      %dma_start3A_118 = arith.constant 0 : i32
      %dma_start3A_119 = tpu.memref_slice %arg4[%add3A_108, %dma_start3A_117, %dma_start3A_118] : memref<4096x20x1000xf32, #tpu.memory_space<hbm>> -> memref<1x20x896xf32, #tpu.memory_space<hbm>>
      %dma_start3A_120 = tpu.memref_squeeze %dma_start3A_119 : memref<1x20x896xf32, #tpu.memory_space<hbm>> -> memref<20x896xf32, #tpu.memory_space<hbm>>
      %dma_start3A_121 = tpu.memref_reshape %arg7 : memref<20x8x128xf32, #tpu.memory_space<vmem>> -> memref<20x1024xf32, #tpu.memory_space<vmem>>
      %dma_start3A_122 = arith.constant 0 : i32
      %dma_start3A_123 = arith.constant 0 : i32
      %dma_start3A_124 = tpu.memref_slice %dma_start3A_121[%dma_start3A_122, %dma_start3A_123] : memref<20x1024xf32, #tpu.memory_space<vmem>> -> memref<20x896xf32, #tpu.memory_space<vmem>>
      tpu.enqueue_dma source(%dma_start3A_124 : memref<20x896xf32, #tpu.memory_space<vmem>>) target(%dma_start3A_120 : memref<20x896xf32, #tpu.memory_space<hbm>>) target_semaphore(%arg11 : memref<!tpu.dma_semaphore, #tpu.memory_space<semaphore_mem>>)
      %add3A_125 = arith.addi %mul3A_2, %add3A_98 : i32
      %dma_start3A_126 = tpu.memref_reshape %arg7 : memref<20x8x128xf32, #tpu.memory_space<vmem>> -> memref<20x1024xf32, #tpu.memory_space<vmem>>
      %dma_start3A_127 = arith.constant 0 : i32
      %dma_start3A_128 = arith.constant 896 : i32
      %dma_start3A_129 = tpu.memref_slice %dma_start3A_126[%dma_start3A_127, %dma_start3A_128] : memref<20x1024xf32, #tpu.memory_space<vmem>> -> memref<20x128xf32, #tpu.memory_space<vmem>>
      %dma_start3A_130 = arith.constant 0 : i32
      %dma_start3A_131 = arith.constant 0 : i32
      %dma_start3A_132 = tpu.memref_slice %arg5[%add3A_125, %dma_start3A_130, %dma_start3A_131] : memref<4096x20x128xf32, #tpu.memory_space<hbm>> -> memref<1x20x128xf32, #tpu.memory_space<hbm>>
      %dma_start3A_133 = tpu.memref_squeeze %dma_start3A_132 : memref<1x20x128xf32, #tpu.memory_space<hbm>> -> memref<20x128xf32, #tpu.memory_space<hbm>>
      %dma_start3A_134 = arith.constant 0 : i32
      %dma_start3A_135 = arith.constant 0 : i32
      %dma_start3A_136 = tpu.memref_slice %arg5[%add3A_125, %dma_start3A_134, %dma_start3A_135] : memref<4096x20x128xf32, #tpu.memory_space<hbm>> -> memref<1x20x128xf32, #tpu.memory_space<hbm>>
      %dma_start3A_137 = tpu.memref_squeeze %dma_start3A_136 : memref<1x20x128xf32, #tpu.memory_space<hbm>> -> memref<20x128xf32, #tpu.memory_space<hbm>>
      %dma_start3A_138 = tpu.memref_reshape %arg7 : memref<20x8x128xf32, #tpu.memory_space<vmem>> -> memref<20x1024xf32, #tpu.memory_space<vmem>>
      %dma_start3A_139 = arith.constant 0 : i32
      %dma_start3A_140 = arith.constant 896 : i32
      %dma_start3A_141 = tpu.memref_slice %dma_start3A_138[%dma_start3A_139, %dma_start3A_140] : memref<20x1024xf32, #tpu.memory_space<vmem>> -> memref<20x128xf32, #tpu.memory_space<vmem>>
      tpu.enqueue_dma source(%dma_start3A_141 : memref<20x128xf32, #tpu.memory_space<vmem>>) target(%dma_start3A_137 : memref<20x128xf32, #tpu.memory_space<hbm>>) target_semaphore(%arg11 : memref<!tpu.dma_semaphore, #tpu.memory_space<semaphore_mem>>)
      %lt3A = arith.constant 63 : i32
      %lt3A_142 = arith.cmpi slt, %scan3A_94, %lt3A : i32
      %convert_element_type3A_143 = arith.extui %lt3A_142 : i1 to i32
      %cond3A_144 = arith.constant 0 : i32
      %cond3A_145 = arith.cmpi ne, %convert_element_type3A_143, %cond3A_144 : i32
      scf.if %cond3A_145 {
        %add3A_201 = arith.constant 2 : i32
        %add3A_202 = arith.addi %add3A_98, %add3A_201 : i32
        %dma_start3A_203 = arith.constant 0 : i32
        %dma_start3A_204 = tpu.memref_slice %arg6[%add3A_202, %dma_start3A_203] : memref<128x20xi32, #tpu.memory_space<vmem>> -> memref<1x20xi32, #tpu.memory_space<vmem>>
        %dma_start3A_205 = tpu.memref_squeeze %dma_start3A_204 : memref<1x20xi32, #tpu.memory_space<vmem>> -> memref<20xi32, #tpu.memory_space<vmem>>
        %dma_start3A_206 = arith.constant 0 : i32
        %dma_start3A_207 = arith.constant 0 : i32
        %dma_start3A_208 = arith.constant 0 : i32
        %dma_start3A_209 = tpu.memref_slice %arg2[%dma_start3A_206, %dma_start3A_207, %dma_start3A_208] : memref<1000x8x128xf32, #tpu.memory_space<hbm>> -> memref<1000x8x128xf32, #tpu.memory_space<hbm>>
        tpu.enqueue_indirect_dma source(%dma_start3A_209 : memref<1000x8x128xf32, #tpu.memory_space<hbm>>) target(%arg7 : memref<20x8x128xf32, #tpu.memory_space<vmem>>) offsets(%dma_start3A_205 : memref<20xi32, #tpu.memory_space<vmem>>) semaphore(%arg9 : memref<!tpu.dma_semaphore, #tpu.memory_space<semaphore_mem>>)
      } else {
      }
      %mul3A_146 = arith.constant 2 : i32
      %mul3A_147 = arith.muli %mul3A_146, %scan3A_94 : i32
      %add3A_148 = arith.constant 1 : i32
      %add3A_149 = arith.addi %mul3A_147, %add3A_148 : i32
      %dma_wait3A_150 = arith.constant 0 : i32
      %dma_wait3A_151 = tpu.memref_slice %arg6[%add3A_149, %dma_wait3A_150] : memref<128x20xi32, #tpu.memory_space<vmem>> -> memref<1x20xi32, #tpu.memory_space<vmem>>
      %dma_wait3A_152 = tpu.memref_squeeze %dma_wait3A_151 : memref<1x20xi32, #tpu.memory_space<vmem>> -> memref<20xi32, #tpu.memory_space<vmem>>
      %dma_wait3A_153 = arith.constant 0 : i32
      %dma_wait3A_154 = arith.constant 0 : i32
      %dma_wait3A_155 = arith.constant 0 : i32
      %dma_wait3A_156 = tpu.memref_slice %arg2[%dma_wait3A_153, %dma_wait3A_154, %dma_wait3A_155] : memref<1000x8x128xf32, #tpu.memory_space<hbm>> -> memref<1000x8x128xf32, #tpu.memory_space<hbm>>
      tpu.wait_indirect_dma semaphore(%arg10 : memref<!tpu.dma_semaphore, #tpu.memory_space<semaphore_mem>>) src(%dma_wait3A_156 : memref<1000x8x128xf32, #tpu.memory_space<hbm>>) dst(%arg8 : memref<20x8x128xf32, #tpu.memory_space<vmem>>)
      %ge3A_157 = arith.constant 1 : i32
      %ge3A_158 = arith.cmpi sge, %scan3A_94, %ge3A_157 : i32
      %convert_element_type3A_159 = arith.extui %ge3A_158 : i1 to i32
      %cond3A_160 = arith.constant 0 : i32
      %cond3A_161 = arith.cmpi ne, %convert_element_type3A_159, %cond3A_160 : i32
      scf.if %cond3A_161 {
        %sub3A = arith.constant 2 : i32
        %sub3A_201 = arith.subi %add3A_149, %sub3A : i32
        %add3A_202 = arith.addi %mul3A_2, %sub3A_201 : i32
        %dma_wait3A_203 = tpu.memref_reshape %arg8 : memref<20x8x128xf32, #tpu.memory_space<vmem>> -> memref<20x1024xf32, #tpu.memory_space<vmem>>
        %dma_wait3A_204 = arith.constant 0 : i32
        %dma_wait3A_205 = arith.constant 0 : i32
        %dma_wait3A_206 = tpu.memref_slice %dma_wait3A_203[%dma_wait3A_204, %dma_wait3A_205] : memref<20x1024xf32, #tpu.memory_space<vmem>> -> memref<20x896xf32, #tpu.memory_space<vmem>>
        %dma_wait3A_207 = arith.constant 0 : i32
        %dma_wait3A_208 = arith.constant 0 : i32
        %dma_wait3A_209 = tpu.memref_slice %arg4[%add3A_202, %dma_wait3A_207, %dma_wait3A_208] : memref<4096x20x1000xf32, #tpu.memory_space<hbm>> -> memref<1x20x896xf32, #tpu.memory_space<hbm>>
        %dma_wait3A_210 = tpu.memref_squeeze %dma_wait3A_209 : memref<1x20x896xf32, #tpu.memory_space<hbm>> -> memref<20x896xf32, #tpu.memory_space<hbm>>
        %dma_wait3A_211 = arith.constant 0 : i32
        %dma_wait3A_212 = arith.constant 0 : i32
        %dma_wait3A_213 = tpu.memref_slice %arg4[%add3A_202, %dma_wait3A_211, %dma_wait3A_212] : memref<4096x20x1000xf32, #tpu.memory_space<hbm>> -> memref<1x20x896xf32, #tpu.memory_space<hbm>>
        %dma_wait3A_214 = tpu.memref_squeeze %dma_wait3A_213 : memref<1x20x896xf32, #tpu.memory_space<hbm>> -> memref<20x896xf32, #tpu.memory_space<hbm>>
        %dma_wait3A_215 = tpu.memref_reshape %arg8 : memref<20x8x128xf32, #tpu.memory_space<vmem>> -> memref<20x1024xf32, #tpu.memory_space<vmem>>
        %dma_wait3A_216 = arith.constant 0 : i32
        %dma_wait3A_217 = arith.constant 0 : i32
        %dma_wait3A_218 = tpu.memref_slice %dma_wait3A_215[%dma_wait3A_216, %dma_wait3A_217] : memref<20x1024xf32, #tpu.memory_space<vmem>> -> memref<20x896xf32, #tpu.memory_space<vmem>>
        tpu.wait_dma2 semaphore(%arg12 : memref<!tpu.dma_semaphore, #tpu.memory_space<semaphore_mem>>) src(%dma_wait3A_218 : memref<20x896xf32, #tpu.memory_space<vmem>>) dst(%dma_wait3A_214 : memref<20x896xf32, #tpu.memory_space<hbm>>)
        %sub3A_219 = arith.constant 2 : i32
        %sub3A_220 = arith.subi %add3A_149, %sub3A_219 : i32
        %add3A_221 = arith.addi %mul3A_2, %sub3A_220 : i32
        %dma_wait3A_222 = tpu.memref_reshape %arg8 : memref<20x8x128xf32, #tpu.memory_space<vmem>> -> memref<20x1024xf32, #tpu.memory_space<vmem>>
        %dma_wait3A_223 = arith.constant 0 : i32
        %dma_wait3A_224 = arith.constant 896 : i32
        %dma_wait3A_225 = tpu.memref_slice %dma_wait3A_222[%dma_wait3A_223, %dma_wait3A_224] : memref<20x1024xf32, #tpu.memory_space<vmem>> -> memref<20x128xf32, #tpu.memory_space<vmem>>
        %dma_wait3A_226 = arith.constant 0 : i32
        %dma_wait3A_227 = arith.constant 0 : i32
        %dma_wait3A_228 = tpu.memref_slice %arg5[%add3A_221, %dma_wait3A_226, %dma_wait3A_227] : memref<4096x20x128xf32, #tpu.memory_space<hbm>> -> memref<1x20x128xf32, #tpu.memory_space<hbm>>
        %dma_wait3A_229 = tpu.memref_squeeze %dma_wait3A_228 : memref<1x20x128xf32, #tpu.memory_space<hbm>> -> memref<20x128xf32, #tpu.memory_space<hbm>>
        %dma_wait3A_230 = arith.constant 0 : i32
        %dma_wait3A_231 = arith.constant 0 : i32
        %dma_wait3A_232 = tpu.memref_slice %arg5[%add3A_221, %dma_wait3A_230, %dma_wait3A_231] : memref<4096x20x128xf32, #tpu.memory_space<hbm>> -> memref<1x20x128xf32, #tpu.memory_space<hbm>>
        %dma_wait3A_233 = tpu.memref_squeeze %dma_wait3A_232 : memref<1x20x128xf32, #tpu.memory_space<hbm>> -> memref<20x128xf32, #tpu.memory_space<hbm>>
        %dma_wait3A_234 = tpu.memref_reshape %arg8 : memref<20x8x128xf32, #tpu.memory_space<vmem>> -> memref<20x1024xf32, #tpu.memory_space<vmem>>
        %dma_wait3A_235 = arith.constant 0 : i32
        %dma_wait3A_236 = arith.constant 896 : i32
        %dma_wait3A_237 = tpu.memref_slice %dma_wait3A_234[%dma_wait3A_235, %dma_wait3A_236] : memref<20x1024xf32, #tpu.memory_space<vmem>> -> memref<20x128xf32, #tpu.memory_space<vmem>>
        tpu.wait_dma2 semaphore(%arg12 : memref<!tpu.dma_semaphore, #tpu.memory_space<semaphore_mem>>) src(%dma_wait3A_237 : memref<20x128xf32, #tpu.memory_space<vmem>>) dst(%dma_wait3A_233 : memref<20x128xf32, #tpu.memory_space<hbm>>)
      } else {
      }
      %add3A_162 = arith.addi %mul3A_2, %add3A_149 : i32
      %dma_start3A_163 = tpu.memref_reshape %arg8 : memref<20x8x128xf32, #tpu.memory_space<vmem>> -> memref<20x1024xf32, #tpu.memory_space<vmem>>
      %dma_start3A_164 = arith.constant 0 : i32
      %dma_start3A_165 = arith.constant 0 : i32
      %dma_start3A_166 = tpu.memref_slice %dma_start3A_163[%dma_start3A_164, %dma_start3A_165] : memref<20x1024xf32, #tpu.memory_space<vmem>> -> memref<20x896xf32, #tpu.memory_space<vmem>>
      %dma_start3A_167 = arith.constant 0 : i32
      %dma_start3A_168 = arith.constant 0 : i32
      %dma_start3A_169 = tpu.memref_slice %arg4[%add3A_162, %dma_start3A_167, %dma_start3A_168] : memref<4096x20x1000xf32, #tpu.memory_space<hbm>> -> memref<1x20x896xf32, #tpu.memory_space<hbm>>
      %dma_start3A_170 = tpu.memref_squeeze %dma_start3A_169 : memref<1x20x896xf32, #tpu.memory_space<hbm>> -> memref<20x896xf32, #tpu.memory_space<hbm>>
      %dma_start3A_171 = arith.constant 0 : i32
      %dma_start3A_172 = arith.constant 0 : i32
      %dma_start3A_173 = tpu.memref_slice %arg4[%add3A_162, %dma_start3A_171, %dma_start3A_172] : memref<4096x20x1000xf32, #tpu.memory_space<hbm>> -> memref<1x20x896xf32, #tpu.memory_space<hbm>>
      %dma_start3A_174 = tpu.memref_squeeze %dma_start3A_173 : memref<1x20x896xf32, #tpu.memory_space<hbm>> -> memref<20x896xf32, #tpu.memory_space<hbm>>
      %dma_start3A_175 = tpu.memref_reshape %arg8 : memref<20x8x128xf32, #tpu.memory_space<vmem>> -> memref<20x1024xf32, #tpu.memory_space<vmem>>
      %dma_start3A_176 = arith.constant 0 : i32
      %dma_start3A_177 = arith.constant 0 : i32
      %dma_start3A_178 = tpu.memref_slice %dma_start3A_175[%dma_start3A_176, %dma_start3A_177] : memref<20x1024xf32, #tpu.memory_space<vmem>> -> memref<20x896xf32, #tpu.memory_space<vmem>>
      tpu.enqueue_dma source(%dma_start3A_178 : memref<20x896xf32, #tpu.memory_space<vmem>>) target(%dma_start3A_174 : memref<20x896xf32, #tpu.memory_space<hbm>>) target_semaphore(%arg12 : memref<!tpu.dma_semaphore, #tpu.memory_space<semaphore_mem>>)
      %add3A_179 = arith.addi %mul3A_2, %add3A_149 : i32
      %dma_start3A_180 = tpu.memref_reshape %arg8 : memref<20x8x128xf32, #tpu.memory_space<vmem>> -> memref<20x1024xf32, #tpu.memory_space<vmem>>
      %dma_start3A_181 = arith.constant 0 : i32
      %dma_start3A_182 = arith.constant 896 : i32
      %dma_start3A_183 = tpu.memref_slice %dma_start3A_180[%dma_start3A_181, %dma_start3A_182] : memref<20x1024xf32, #tpu.memory_space<vmem>> -> memref<20x128xf32, #tpu.memory_space<vmem>>
      %dma_start3A_184 = arith.constant 0 : i32
      %dma_start3A_185 = arith.constant 0 : i32
      %dma_start3A_186 = tpu.memref_slice %arg5[%add3A_179, %dma_start3A_184, %dma_start3A_185] : memref<4096x20x128xf32, #tpu.memory_space<hbm>> -> memref<1x20x128xf32, #tpu.memory_space<hbm>>
      %dma_start3A_187 = tpu.memref_squeeze %dma_start3A_186 : memref<1x20x128xf32, #tpu.memory_space<hbm>> -> memref<20x128xf32, #tpu.memory_space<hbm>>
      %dma_start3A_188 = arith.constant 0 : i32
      %dma_start3A_189 = arith.constant 0 : i32
      %dma_start3A_190 = tpu.memref_slice %arg5[%add3A_179, %dma_start3A_188, %dma_start3A_189] : memref<4096x20x128xf32, #tpu.memory_space<hbm>> -> memref<1x20x128xf32, #tpu.memory_space<hbm>>
      %dma_start3A_191 = tpu.memref_squeeze %dma_start3A_190 : memref<1x20x128xf32, #tpu.memory_space<hbm>> -> memref<20x128xf32, #tpu.memory_space<hbm>>
      %dma_start3A_192 = tpu.memref_reshape %arg8 : memref<20x8x128xf32, #tpu.memory_space<vmem>> -> memref<20x1024xf32, #tpu.memory_space<vmem>>
      %dma_start3A_193 = arith.constant 0 : i32
      %dma_start3A_194 = arith.constant 896 : i32
      %dma_start3A_195 = tpu.memref_slice %dma_start3A_192[%dma_start3A_193, %dma_start3A_194] : memref<20x1024xf32, #tpu.memory_space<vmem>> -> memref<20x128xf32, #tpu.memory_space<vmem>>
      tpu.enqueue_dma source(%dma_start3A_195 : memref<20x128xf32, #tpu.memory_space<vmem>>) target(%dma_start3A_191 : memref<20x128xf32, #tpu.memory_space<hbm>>) target_semaphore(%arg12 : memref<!tpu.dma_semaphore, #tpu.memory_space<semaphore_mem>>)
      %lt3A_196 = arith.constant 63 : i32
      %lt3A_197 = arith.cmpi slt, %scan3A_94, %lt3A_196 : i32
      %convert_element_type3A_198 = arith.extui %lt3A_197 : i1 to i32
      %cond3A_199 = arith.constant 0 : i32
      %cond3A_200 = arith.cmpi ne, %convert_element_type3A_198, %cond3A_199 : i32
      scf.if %cond3A_200 {
        %add3A_201 = arith.constant 2 : i32
        %add3A_202 = arith.addi %add3A_149, %add3A_201 : i32
        %dma_start3A_203 = arith.constant 0 : i32
        %dma_start3A_204 = tpu.memref_slice %arg6[%add3A_202, %dma_start3A_203] : memref<128x20xi32, #tpu.memory_space<vmem>> -> memref<1x20xi32, #tpu.memory_space<vmem>>
        %dma_start3A_205 = tpu.memref_squeeze %dma_start3A_204 : memref<1x20xi32, #tpu.memory_space<vmem>> -> memref<20xi32, #tpu.memory_space<vmem>>
        %dma_start3A_206 = arith.constant 0 : i32
        %dma_start3A_207 = arith.constant 0 : i32
        %dma_start3A_208 = arith.constant 0 : i32
        %dma_start3A_209 = tpu.memref_slice %arg2[%dma_start3A_206, %dma_start3A_207, %dma_start3A_208] : memref<1000x8x128xf32, #tpu.memory_space<hbm>> -> memref<1000x8x128xf32, #tpu.memory_space<hbm>>
        tpu.enqueue_indirect_dma source(%dma_start3A_209 : memref<1000x8x128xf32, #tpu.memory_space<hbm>>) target(%arg8 : memref<20x8x128xf32, #tpu.memory_space<vmem>>) offsets(%dma_start3A_205 : memref<20xi32, #tpu.memory_space<vmem>>) semaphore(%arg10 : memref<!tpu.dma_semaphore, #tpu.memory_space<semaphore_mem>>)
      } else {
      }
    }
    %scan3A_22 = arith.constant 64 : i32
    %add3A_23 = arith.constant 126 : i32
    %add3A_24 = arith.addi %mul3A_2, %add3A_23 : i32
    %dma_wait3A = tpu.memref_reshape %arg7 : memref<20x8x128xf32, #tpu.memory_space<vmem>> -> memref<20x1024xf32, #tpu.memory_space<vmem>>
    %dma_wait3A_25 = arith.constant 0 : i32
    %dma_wait3A_26 = arith.constant 0 : i32
    %dma_wait3A_27 = tpu.memref_slice %dma_wait3A[%dma_wait3A_25, %dma_wait3A_26] : memref<20x1024xf32, #tpu.memory_space<vmem>> -> memref<20x896xf32, #tpu.memory_space<vmem>>
    %dma_wait3A_28 = arith.constant 0 : i32
    %dma_wait3A_29 = arith.constant 0 : i32
    %dma_wait3A_30 = tpu.memref_slice %arg4[%add3A_24, %dma_wait3A_28, %dma_wait3A_29] : memref<4096x20x1000xf32, #tpu.memory_space<hbm>> -> memref<1x20x896xf32, #tpu.memory_space<hbm>>
    %dma_wait3A_31 = tpu.memref_squeeze %dma_wait3A_30 : memref<1x20x896xf32, #tpu.memory_space<hbm>> -> memref<20x896xf32, #tpu.memory_space<hbm>>
    %dma_wait3A_32 = arith.constant 0 : i32
    %dma_wait3A_33 = arith.constant 0 : i32
    %dma_wait3A_34 = tpu.memref_slice %arg4[%add3A_24, %dma_wait3A_32, %dma_wait3A_33] : memref<4096x20x1000xf32, #tpu.memory_space<hbm>> -> memref<1x20x896xf32, #tpu.memory_space<hbm>>
    %dma_wait3A_35 = tpu.memref_squeeze %dma_wait3A_34 : memref<1x20x896xf32, #tpu.memory_space<hbm>> -> memref<20x896xf32, #tpu.memory_space<hbm>>
    %dma_wait3A_36 = tpu.memref_reshape %arg7 : memref<20x8x128xf32, #tpu.memory_space<vmem>> -> memref<20x1024xf32, #tpu.memory_space<vmem>>
    %dma_wait3A_37 = arith.constant 0 : i32
    %dma_wait3A_38 = arith.constant 0 : i32
    %dma_wait3A_39 = tpu.memref_slice %dma_wait3A_36[%dma_wait3A_37, %dma_wait3A_38] : memref<20x1024xf32, #tpu.memory_space<vmem>> -> memref<20x896xf32, #tpu.memory_space<vmem>>
    tpu.wait_dma2 semaphore(%arg11 : memref<!tpu.dma_semaphore, #tpu.memory_space<semaphore_mem>>) src(%dma_wait3A_39 : memref<20x896xf32, #tpu.memory_space<vmem>>) dst(%dma_wait3A_35 : memref<20x896xf32, #tpu.memory_space<hbm>>)
    %add3A_40 = arith.constant 126 : i32
    %add3A_41 = arith.addi %mul3A_2, %add3A_40 : i32
    %dma_wait3A_42 = tpu.memref_reshape %arg7 : memref<20x8x128xf32, #tpu.memory_space<vmem>> -> memref<20x1024xf32, #tpu.memory_space<vmem>>
    %dma_wait3A_43 = arith.constant 0 : i32
    %dma_wait3A_44 = arith.constant 896 : i32
    %dma_wait3A_45 = tpu.memref_slice %dma_wait3A_42[%dma_wait3A_43, %dma_wait3A_44] : memref<20x1024xf32, #tpu.memory_space<vmem>> -> memref<20x128xf32, #tpu.memory_space<vmem>>
    %dma_wait3A_46 = arith.constant 0 : i32
    %dma_wait3A_47 = arith.constant 0 : i32
    %dma_wait3A_48 = tpu.memref_slice %arg5[%add3A_41, %dma_wait3A_46, %dma_wait3A_47] : memref<4096x20x128xf32, #tpu.memory_space<hbm>> -> memref<1x20x128xf32, #tpu.memory_space<hbm>>
    %dma_wait3A_49 = tpu.memref_squeeze %dma_wait3A_48 : memref<1x20x128xf32, #tpu.memory_space<hbm>> -> memref<20x128xf32, #tpu.memory_space<hbm>>
    %dma_wait3A_50 = arith.constant 0 : i32
    %dma_wait3A_51 = arith.constant 0 : i32
    %dma_wait3A_52 = tpu.memref_slice %arg5[%add3A_41, %dma_wait3A_50, %dma_wait3A_51] : memref<4096x20x128xf32, #tpu.memory_space<hbm>> -> memref<1x20x128xf32, #tpu.memory_space<hbm>>
    %dma_wait3A_53 = tpu.memref_squeeze %dma_wait3A_52 : memref<1x20x128xf32, #tpu.memory_space<hbm>> -> memref<20x128xf32, #tpu.memory_space<hbm>>
    %dma_wait3A_54 = tpu.memref_reshape %arg7 : memref<20x8x128xf32, #tpu.memory_space<vmem>> -> memref<20x1024xf32, #tpu.memory_space<vmem>>
    %dma_wait3A_55 = arith.constant 0 : i32
    %dma_wait3A_56 = arith.constant 896 : i32
    %dma_wait3A_57 = tpu.memref_slice %dma_wait3A_54[%dma_wait3A_55, %dma_wait3A_56] : memref<20x1024xf32, #tpu.memory_space<vmem>> -> memref<20x128xf32, #tpu.memory_space<vmem>>
    tpu.wait_dma2 semaphore(%arg11 : memref<!tpu.dma_semaphore, #tpu.memory_space<semaphore_mem>>) src(%dma_wait3A_57 : memref<20x128xf32, #tpu.memory_space<vmem>>) dst(%dma_wait3A_53 : memref<20x128xf32, #tpu.memory_space<hbm>>)
    %add3A_58 = arith.constant 127 : i32
    %add3A_59 = arith.addi %mul3A_2, %add3A_58 : i32
    %dma_wait3A_60 = tpu.memref_reshape %arg8 : memref<20x8x128xf32, #tpu.memory_space<vmem>> -> memref<20x1024xf32, #tpu.memory_space<vmem>>
    %dma_wait3A_61 = arith.constant 0 : i32
    %dma_wait3A_62 = arith.constant 0 : i32
    %dma_wait3A_63 = tpu.memref_slice %dma_wait3A_60[%dma_wait3A_61, %dma_wait3A_62] : memref<20x1024xf32, #tpu.memory_space<vmem>> -> memref<20x896xf32, #tpu.memory_space<vmem>>
    %dma_wait3A_64 = arith.constant 0 : i32
    %dma_wait3A_65 = arith.constant 0 : i32
    %dma_wait3A_66 = tpu.memref_slice %arg4[%add3A_59, %dma_wait3A_64, %dma_wait3A_65] : memref<4096x20x1000xf32, #tpu.memory_space<hbm>> -> memref<1x20x896xf32, #tpu.memory_space<hbm>>
    %dma_wait3A_67 = tpu.memref_squeeze %dma_wait3A_66 : memref<1x20x896xf32, #tpu.memory_space<hbm>> -> memref<20x896xf32, #tpu.memory_space<hbm>>
    %dma_wait3A_68 = arith.constant 0 : i32
    %dma_wait3A_69 = arith.constant 0 : i32
    %dma_wait3A_70 = tpu.memref_slice %arg4[%add3A_59, %dma_wait3A_68, %dma_wait3A_69] : memref<4096x20x1000xf32, #tpu.memory_space<hbm>> -> memref<1x20x896xf32, #tpu.memory_space<hbm>>
    %dma_wait3A_71 = tpu.memref_squeeze %dma_wait3A_70 : memref<1x20x896xf32, #tpu.memory_space<hbm>> -> memref<20x896xf32, #tpu.memory_space<hbm>>
    %dma_wait3A_72 = tpu.memref_reshape %arg8 : memref<20x8x128xf32, #tpu.memory_space<vmem>> -> memref<20x1024xf32, #tpu.memory_space<vmem>>
    %dma_wait3A_73 = arith.constant 0 : i32
    %dma_wait3A_74 = arith.constant 0 : i32
    %dma_wait3A_75 = tpu.memref_slice %dma_wait3A_72[%dma_wait3A_73, %dma_wait3A_74] : memref<20x1024xf32, #tpu.memory_space<vmem>> -> memref<20x896xf32, #tpu.memory_space<vmem>>
    tpu.wait_dma2 semaphore(%arg12 : memref<!tpu.dma_semaphore, #tpu.memory_space<semaphore_mem>>) src(%dma_wait3A_75 : memref<20x896xf32, #tpu.memory_space<vmem>>) dst(%dma_wait3A_71 : memref<20x896xf32, #tpu.memory_space<hbm>>)
    %add3A_76 = arith.constant 127 : i32
    %add3A_77 = arith.addi %mul3A_2, %add3A_76 : i32
    %dma_wait3A_78 = tpu.memref_reshape %arg8 : memref<20x8x128xf32, #tpu.memory_space<vmem>> -> memref<20x1024xf32, #tpu.memory_space<vmem>>
    %dma_wait3A_79 = arith.constant 0 : i32
    %dma_wait3A_80 = arith.constant 896 : i32
    %dma_wait3A_81 = tpu.memref_slice %dma_wait3A_78[%dma_wait3A_79, %dma_wait3A_80] : memref<20x1024xf32, #tpu.memory_space<vmem>> -> memref<20x128xf32, #tpu.memory_space<vmem>>
    %dma_wait3A_82 = arith.constant 0 : i32
    %dma_wait3A_83 = arith.constant 0 : i32
    %dma_wait3A_84 = tpu.memref_slice %arg5[%add3A_77, %dma_wait3A_82, %dma_wait3A_83] : memref<4096x20x128xf32, #tpu.memory_space<hbm>> -> memref<1x20x128xf32, #tpu.memory_space<hbm>>
    %dma_wait3A_85 = tpu.memref_squeeze %dma_wait3A_84 : memref<1x20x128xf32, #tpu.memory_space<hbm>> -> memref<20x128xf32, #tpu.memory_space<hbm>>
    %dma_wait3A_86 = arith.constant 0 : i32
    %dma_wait3A_87 = arith.constant 0 : i32
    %dma_wait3A_88 = tpu.memref_slice %arg5[%add3A_77, %dma_wait3A_86, %dma_wait3A_87] : memref<4096x20x128xf32, #tpu.memory_space<hbm>> -> memref<1x20x128xf32, #tpu.memory_space<hbm>>
    %dma_wait3A_89 = tpu.memref_squeeze %dma_wait3A_88 : memref<1x20x128xf32, #tpu.memory_space<hbm>> -> memref<20x128xf32, #tpu.memory_space<hbm>>
    %dma_wait3A_90 = tpu.memref_reshape %arg8 : memref<20x8x128xf32, #tpu.memory_space<vmem>> -> memref<20x1024xf32, #tpu.memory_space<vmem>>
    %dma_wait3A_91 = arith.constant 0 : i32
    %dma_wait3A_92 = arith.constant 896 : i32
    %dma_wait3A_93 = tpu.memref_slice %dma_wait3A_90[%dma_wait3A_91, %dma_wait3A_92] : memref<20x1024xf32, #tpu.memory_space<vmem>> -> memref<20x128xf32, #tpu.memory_space<vmem>>
    tpu.wait_dma2 semaphore(%arg12 : memref<!tpu.dma_semaphore, #tpu.memory_space<semaphore_mem>>) src(%dma_wait3A_93 : memref<20x128xf32, #tpu.memory_space<vmem>>) dst(%dma_wait3A_89 : memref<20x128xf32, #tpu.memory_space<hbm>>)
    return
  }
}

</mosaic_0001>

<sc_bundles>
// kernel: _run.3.cloned.1.call-start
scs
__scs_entry_jumppad:
0x0: {  	(pc) =	sbr.rel $0x88, $3  }
0x1: {  	(tag) =	ssettag $0x0;
	lr =	simm.s32 $0x1  }
0x2: {  	[smem:$0x3F9F] =	sst lr;
	_ =	strace $0xD0000000  }
0x3: {  	_ = 	snop  }
0x4: {  	_ = 	snop  }
0x5: {  	_ = 	snop  }
0x6: {  	_ = 	snop  }
0x7: {  	_ = 	snop  }
__scs_overlays_trampoline_lowered:
0x8: {  	[smem:$0x3FAE] =	sst s0  }
0x9: {  	[smem:$0x3FAF] =	sst s1  }
0xa: {  	[smem:$0x3FB0] =	sst s2  }
0xb: {  	[smem:$0x3FB1] =	sst s3  }
0xc: {  	[smem:$0x3FB2] =	sst s4  }
0xd: {  	[smem:$0x3FB3] =	sst s5  }
0xe: {  	[smem:$0x3FB4] =	sst s6  }
0xf: {  	[smem:$0x3FB5] =	sst s7  }
0x10: {  	[smem:$0x3FB6] =	sst s8  }
0x11: {  	[smem:$0x3FB7] =	sst s9;
	s0 =	simm.s32 @!p0 $0x0  }
0x12: {  	s1 =	sld [smem:$0x3F9D];
	s0 =	simm.s32 @p0 $0x1  }
0x13: {  	[smem:$0x3FB8] =	sst s0;
	s0 =	simm.s32 @!p1 $0x0  }
0x14: {  	s2 =	sld [smem:$0x3F9C];
	s0 =	simm.s32 @p1 $0x1  }
0x15: {  	[smem:$0x3FB9] =	sst s0;
	s0 =	simm.s32 @!p2 $0x0  }
0x16: {  	s3 =	sld [smem:$0x3FDB];
	s0 =	simm.s32 @p2 $0x1  }
0x17: {  	s4 =	simm.s32 $0x1BF5;
	[smem:$0x3FBB] =	sst s0  }
0x18: {  	s0 =	sld [smem:$0x3F9E];
	_ =	swait.ge [sflag:s4], $0x0  }
0x19: {  	s7 =	sld [smem:$0x3F9F]  }
0x1a: {  	s8 =	sadd.s32 $0xFFFFE003, lr  }
0x1b: {  	s9 =	sadd.s32 $0xFFFFFEF7, lr;
	s5 =	simm.s32 $0xFFFFFFFF;
	p2 =	slt.u32 s8, $0xFFFFF086  }
0x1c: {  	p1 =	slt.u32 s9, $0xF7A;
	s5 =	simm.s32 @!p2 $0x0  }
0x1d: {  	s5 =	simm.s32 @p1 $0x1;
	p0 =	seq.s32 s7, s2  }
0x1e: {  	s7 =	smul.u32 @!p0 $0xF7A, s2;
	p2 =	seq.s32 @!p0 s5, $0x0  }
0x1f: {  	s9 =	smul.u32 $0xF7A, s1;
	s8 =	simm.s32 @!p0 $0x1BF5;
	p2 =	por !p2, p0  }
0x20: {  	[sflag:s8] =	ssyncset.s32 @!p0 $0xFFFFF086;
	s6 =	sadd.s32 @!p0 s3, s7;
	s7 =	simm.s32 @!p0 $0x108  }
0x21: {  	s3 =	sadd.s32 s3, s9;
	s6 =	sadd.s32 @!p0 $0x88, s6;
	s7 =	simm.s32 @p2 $0x1082  }
0x22: {  	[simem:s7], [sflag:s8] =	dma.local @!p0 [hbm:s6], $0xF7A  }
0x23: {  	s9 =	sor.u32 $0xD0000000, s2;
	s6 =	simm.s32 $0x108;
	_ =	swait.ge @!p0 [sflag:s8], $0x0  }
0x24: {  	s3 =	sadd.s32 $0x88, s3;
	s6 =	simm.s32 @!p1 $0x1082;
	[sflag:s4] =	ssyncset.s32 $0xFFFFF086  }
0x25: {  	[simem:s6], [sflag:s4] =	dma.local [hbm:s3], $0xF7A  }
0x26: {  	[smem:$0x3F9F] =	sst s1;
	(tag) =	ssettag s2;
	_ =	strace s9  }
0x27: {  	s1 =	sld [smem:$0x3FAF]  }
0x28: {  	s2 =	sld [smem:$0x3FB0]  }
0x29: {  	s4 =	sld [smem:$0x3FB2]  }
0x2a: {  	p0 =	seq.s32 s5, $0x0;
	s5 =	sld [smem:$0x3FB3]  }
0x2b: {  	s6 =	sld [smem:$0x3FB4]  }
0x2c: {  	s7 =	sld [smem:$0x3FB5]  }
0x2d: {  	s3 =	simm.s32 $0x108;
	s8 =	sld [smem:$0x3FB6]  }
0x2e: {  	s3 =	simm.s32 @!p0 $0x1082;
	s9 =	sld [smem:$0x3FB7]  }
0x2f: {  	lr =	sadd.s32 s0, s3;
	s0 =	sld [smem:$0x3FAE]  }
0x30: {  	s3 =	sld [smem:$0x3FB1]  }
0x31: {  	[smem:$0x3FBA] =	sst s10  }
0x32: {  	s10 =	sld [smem:$0x3FB8];
	_ =	sdelay $0x3  }
0x33: {  	p0 =	seq.s32 s10, $0x1;
	s10 =	sld [smem:$0x3FBA];
	_ =	sdelay $0x3  }
0x34: {  	[smem:$0x3FBA] =	sst s10  }
0x35: {  	s10 =	sld [smem:$0x3FB9];
	_ =	sdelay $0x3  }
0x36: {  	p1 =	seq.s32 s10, $0x1;
	s10 =	sld [smem:$0x3FBA];
	_ =	sdelay $0x3  }
0x37: {  	[smem:$0x3FBA] =	sst s10  }
0x38: {  	s10 =	sld [smem:$0x3FBB]  }
0x39: {  	_ = 	snop;
	(pc) =	sbr.ind lr, $3  }
0x3a: {  	_ = 	snop  }
0x3b: {  	_ = 	snop  }
0x3c: {  	p2 =	seq.s32 s10, $0x1;
	s10 =	sld [smem:$0x3FBA]  }
0x3d: {  	_ =	shalt  }
0x3e: {  	_ =	shalt  }
0x3f: {  	_ =	shalt  }
0x40: {  	_ =	shalt  }
0x41: {  	_ =	shalt  }
0x42: {  	_ =	shalt  }
0x43: {  	_ =	shalt  }
0x44: {  	_ =	shalt  }
0x45: {  	_ =	shalt  }
0x46: {  	_ =	shalt  }
0x47: {  	_ =	shalt  }
0x48: {  	_ =	shalt  }
0x49: {  	_ =	shalt  }
0x4a: {  	_ =	shalt  }
0x4b: {  	_ =	shalt  }
0x4c: {  	_ =	shalt  }
0x4d: {  	_ =	shalt  }
0x4e: {  	_ =	shalt  }
0x4f: {  	_ =	shalt  }
0x50: {  	_ =	shalt  }
0x51: {  	_ =	shalt  }
0x52: {  	_ =	shalt  }
0x53: {  	_ =	shalt  }
0x54: {  	_ =	shalt  }
0x55: {  	_ =	shalt  }
0x56: {  	_ =	shalt  }
0x57: {  	_ =	shalt  }
0x58: {  	_ =	shalt  }
0x59: {  	_ =	shalt  }
0x5a: {  	_ =	shalt  }
0x5b: {  	_ =	shalt  }
0x5c: {  	_ =	shalt  }
0x5d: {  	_ =	shalt  }
0x5e: {  	_ =	shalt  }
0x5f: {  	_ =	shalt  }
0x60: {  	_ =	shalt  }
0x61: {  	_ =	shalt  }
0x62: {  	_ =	shalt  }
0x63: {  	_ =	shalt  }
0x64: {  	_ =	shalt  }
0x65: {  	_ =	shalt  }
0x66: {  	_ =	shalt  }
0x67: {  	_ =	shalt  }
0x68: {  	_ =	shalt  }
0x69: {  	_ =	shalt  }
0x6a: {  	_ =	shalt  }
0x6b: {  	_ =	shalt  }
0x6c: {  	_ =	shalt  }
0x6d: {  	_ =	shalt  }
0x6e: {  	_ =	shalt  }
0x6f: {  	_ =	shalt  }
0x70: {  	_ =	shalt  }
0x71: {  	_ =	shalt  }
0x72: {  	_ =	shalt  }
0x73: {  	_ =	shalt  }
0x74: {  	_ =	shalt  }
0x75: {  	_ =	shalt  }
0x76: {  	_ =	shalt  }
0x77: {  	_ =	shalt  }
0x78: {  	_ =	shalt  }
0x79: {  	_ =	shalt  }
0x7a: {  	_ =	shalt  }
0x7b: {  	_ =	shalt  }
0x7c: {  	_ =	shalt  }
0x7d: {  	_ =	shalt  }
0x7e: {  	_ =	shalt  }
0x7f: {  	_ =	shalt  }
0x80: {  	_ =	shalt  }
0x81: {  	_ =	shalt  }
0x82: {  	_ =	shalt  }
0x83: {  	_ =	shalt  }
0x84: {  	_ =	shalt  }
0x85: {  	_ =	shalt  }
0x86: {  	_ =	shalt  }
0x87: {  	_ =	shalt  }
.Lfunc_end0:
.L_simem_size_0:
called_computation.1_lowered:
.L_overlay_start_0:
0x88: {  	s2 =	sld [smem:$0x3FD9]  }
0x89: {  	s3 =	sld [smem:$0x3FFE];
	_ =	sdelay $0x1  }
0x8a: {  	s1 =	srdreg.scid  }
0x8b: {  	s0 =	sand.u32 $0x1, s1  }
0x8c: {  	s17 =	sshll.u32 s0, $0xA;
	s2 =	sadd.s32 s3, s2  }
0x8d: {  	s2 =	sadd.s32 s2, s17  }
0x8e: {  	[smem:$0x3FC6] =	sst s2  }
0x8f: {  	_ = 	snop  }
0x90: {  	s2 =	sld [smem:$0x3FC8]  }
0x91: {  	s18 =	sld [smem:$0x3FD0];
	(tm) =	ssettm $0x1  }
0x92: {  	s4 =	sld [smem:$0x3FFB];
	_ =	sdelay $0x3  }
0x93: {  	_ =	strace s4  }
0x94: {  	s4 =	sld [smem:$0x3FFC];
	_ =	sdelay $0x3  }
0x95: {  	_ =	strace s4  }
0x96: {  	s4 =	sld [smem:$0x3FFD];
	_ =	sdelay $0x3  }
0x97: {  	_ =	strace s4  }
0x98: {  	_ =	strace $0x8FFFFFFF  }
0x99: {  	s19 =	sld [smem:$0x3FDB];
	_ =	sdelay $0x1  }
0x9a: {  	s5 =	simm.s32 $_scs_section_size  }
0x9b: {  	s6 =	simm.s32 $_size__tile_overlayer_lowered;
	s7 =	simm.s32 $_tile_overlayer_lowered  }
0x9c: {  	s22 =	simm.s32 $0x1BFF;
	s21 =	sshll.u32 s7, $0x1;
	s4 =	sadd.s32 s5, s19  }
0x9d: {  	s8 =	simm.s32 $0x0;
	s20 =	sshll.u32 s6, $0x1;
	s6 =	sadd.s32 s21, s4  }
0x9e: {  	[timem:s8], [sflag:s22] =	dma.local [hbm:s6], s20  }
0x9f: {  	_ =	swait.ge [sflag:s22], s20  }
0xa0: {  	s5 =	ssub.s32 $0x0, s20;
	[sflag:s22] =	ssyncset.done $0x0  }
0xa1: {  	[sflag:s22] =	ssyncadd.s32 s5;
	_ =	sdelay $0x1  }
0xa2: {  	s23 =	simm.s32 $0x1B8B  }
0xa3: {  	_ =	swait.ge [sflag:s23], $0x1  }
0xa4: {  	[sflag:s23] =	ssyncset.done $0x0  }
0xa5: {  	s25 =	simm.s32 $0x1B8E;
	s24 =	sld [smem:$0x3FFE];
	[sflag:s23] =	ssyncadd.s32 $0xFFFFFFFF  }
0xa6: {  	s26 =	simm.s32 $execute0_lowered;
	[smem:$0x3FD2] =	sst s25  }
0xa7: {  	s6 =	sshll.u32 s26, $0x1;
	_ =	strace $0x80000046;
	[dreg:$0x1] =	wrdreg $0xFFFFFFFF  }
0xa8: {  	s28 =	simm.s32 $_size_execute0_lowered;
	s4 =	sadd.s32 s4, s6;
	[dreg:$0x0] =	wrdreg $0x0  }
0xa9: {  	s6 =	sshll.u32 s28, $0x1;
	[dreg:$0x2] =	wrdreg s4  }
0xaa: {  	[dreg:$0x3] =	wrdreg s6  }
0xab: {  	[dreg:$0x4] =	wrdreg $0xC0  }
0xac: {  	_ =	task [dreg:s8], $0x5FFFF  }
0xad: {  	[dreg:$0x1] =	wrdreg $0xFFFFFFFF  }
0xae: {  	[dreg:$0x0] =	wrdreg $0x60  }
0xaf: {  	[dreg:$0x2] =	wrdreg s2  }
0xb0: {  	[dreg:$0x3] =	wrdreg s24  }
0xb1: {  	[dreg:$0x4] =	wrdreg s18  }
0xb2: {  	[dreg:$0x5] =	wrdreg $0x9  }
0xb3: {  	_ =	task.clear_ibuf [dreg:s8], $0x6FFFF;
	_ =	strace $0x90000046  }
0xb4: {  	s29 =	simm.s32 $0x9;
	_ =	strace $0x80000048  }
0xb5: {  	_ =	swait.ge [sflag:s29], $0x1  }
0xb6: {  	[sflag:s29] =	ssyncadd.s32 $0xFFFFFFFF  }
0xb7: {  	_ =	strace $0x90000048  }
0xb8: {  	_ =	sfence  }
0xb9: {  	s30 =	sld [smem:$0x0];
	_ =	sdelay $0x2  }
0xba: {  	s31 =	sshll.u32 s1, $0xD;
	s1 =	sshrl.u32 s1, $0x2  }
0xbb: {  	s3 =	sand.u32 $0x4000, s31;
	s1 =	sadd.s32 s1, s30  }
0xbc: {  	s0 =	sor.u32 s3, s0;
	s1 =	sshll.u32 s1, $0x11  }
0xbd: {  	s0 =	sor.u32 s1, s0  }
0xbe: {  	s0 =	sadd.s32 $0x8F2B, s0  }
0xbf: {  	[sflag:s0] =	ssyncadd.remote.s32 $0x1  }
0xc0: {  	_ =	sfence.sel $0xFFFF  }
0xc1: {  	[dreg:$0x0] =	wrdreg $0xFFFFFFFF;
	(pc) =	sbr.abs _section_cstart, $3  }
0xc2: {  	[dreg:$0x1] =	wrdreg $0xFFFFFFFF  }
0xc3: {  	_ =	task.clear_ibuf [dreg:s8], $0x2FFFF;
	_ =	strace $0x9FFFFFFF  }
0xc4: {  	(tm) =	ssettm $0x7FFFFFFF  }
0xc5: {  	_ =	shalt  }
tec
execute0_lowered:
.L_overlay_start_1:
0x0: {  	(tag) =	ssettag $0x1  }
0x1: {  	s1 =	rddreg [dreg:$0x0]  }
0x2: {  	s0 =	rddreg [dreg:$0x1]  }
0x3: {  	s3 =	rddreg [dreg:$0x2];
	s2 =	srdreg.scid  }
0x4: {  	s5 =	stileid.u32;
	s4 =	simm.s32 $0x0;
	s10 =	simm.s32 $0x14  }
0x5: {  	s11 =	simm.s32 $0x4000;
	s12 =	simm.s32 $0x80;
	s13 =	simm.s32 $0x9000  }
0x6: {  	s14 =	simm.s32 $0x1;
	s15 =	simm.s32 $0x400;
	s9 =	simm.s32 $0x2  }
0x7: {  	s16 =	simm.s32 $0x4;
	s28 =	simm.s32 $0xBC00;
	s29 =	simm.s32 $0xC000  }
0x8: {  	s30 =	simm.s32 $0xC400;
	s31 =	simm.s32 $0xC800;
	s17 =	simm.s32 $0xDC00  }
0x9: {  	s19 =	simm.s32 $0x0;
	s2 =	sand.u32 $0x1, s2;
	s5 =	sshll.u32 s5, $0x8  }
0xa: {  	[smem:$0x7FF] =	sst s4;
	s6 =	sshll.u32 s2, $0x7;
	s2 =	ssub.s32 $0x2, s2  }
0xb: {  	_ =	strace $0x80000047;
	s5 =	sor.u32 s6, s5;
	s7 =	sshrl.u32 s2, $0x1  }
.Ltmp0:
0xc: {  	s6 =	sshll.u32 s5, $0x4;
	s25 =	ssub.s32 s2, s7;
	(pc) =	sbr.rel .LBB2_1-.Ltmp0, $4  }
0xd: {  	s2 =	simm.s32 $0xD000;
	s7 =	simm.s32 $0xD400;
	s8 =	sadd.s32 s6, s0  }
0xe: {  	s6 =	sadd.s32 $0x10C00, s0;
	s0 =	smax.u32 s25, $0x1;
	s25 =	simm.s32 $0xB400  }
0xf: {  	s26 =	sadd.s32 $0xC00, s8;
	[dreg:$0x5] =	wrdreg s0;
	s0 =	simm.s32 $0xCC00  }
0x10: {  	s8 =	simm.s32 $0xD800;
	[dreg:$0x4] =	wrdreg s26;
	s26 =	simm.s32 $0xB800  }
.LBB2_12:
0x11: {  	s18 =	simm.s32 $0x3  }
0x12: {  	_ =	swait.ge [sflag:s18], $0x4600  }
0x13: {  	[sflag:s18] =	ssyncset.done $0x0  }
0x14: {  	[sflag:s18] =	ssyncadd.s32 $0xFFFFBA00  }
0x15: {  	_ =	swait.ge [sflag:s18], $0xA00  }
0x16: {  	[sflag:s18] =	ssyncset.done $0x0  }
0x17: {  	[sflag:s18] =	ssyncadd.s32 $0xFFFFF600  }
0x18: {  	_ =	swait.ge [sflag:s16], $0x4600  }
0x19: {  	[sflag:s16] =	ssyncset.done $0x0  }
0x1a: {  	[sflag:s16] =	ssyncadd.s32 $0xFFFFBA00  }
0x1b: {  	_ =	swait.ge [sflag:s16], $0xA00  }
0x1c: {  	s19 =	rddreg [dreg:$0x6]  }
0x1d: {  	s24 =	rddreg [dreg:$0x5];
	s19 =	sadd.s32 $0x1, s19  }
0x1e: {  	p0 =	sne.s32 s19, s24  }
.Ltmp1:
0x1f: {  	_ = 	snop;
	(pc) =	sbr.rel @!p0 .LBB2_13-.Ltmp1, $3  }
0x20: {  	_ =	sdelay $0x1  }
0x21: {  	[sflag:s16] =	ssyncset.done $0x0  }
0x22: {  	[sflag:s16] =	ssyncadd.s32 $0xFFFFF600  }
.LBB2_1:
0x23: {  	[dreg:$0x6] =	wrdreg s19  }
0x24: {  	s18 =	rddreg [dreg:$0x4];
	s24 =	simm.s32 $0x5  }
0x25: {  	[tilespmem:s4], [sflag:$0x5] =	stream.linear.gather [hbm4b:s18+s4], $0x4000, $0x38;
	[tilespmem:$0xE000] =	vst v63  }
0x26: {  	_ =	swait.ge [sflag:s24], $0x4000  }
0x27: {  	[sflag:s24] =	ssyncset.done $0x0  }
0x28: {  	[sflag:s24] =	ssyncadd.s32 $0xFFFFC000  }
0x29: {  	[tilespmem:s11], [sflag:$0x1] =	stream.indirect.gather [hbm4b:s1+s10], $0x400, s4, s10, $0xb8;
	[tilespmem:$0xE000] =	vst v63  }
0x2a: {  	s18 =	simm.s32 $0x0  }
0x2b: {  	[tilespmem:s13], [sflag:$0x2] =	stream.indirect.gather [hbm4b:s1+s10], $0x400, s12, s10, $0xb8;
	[tilespmem:$0xE000] =	vst v63  }
.LBB2_2:
0x2c: {  	_ =	swait.ge [sflag:s14], $0x5000  }
0x2d: {  	p0 =	seq.s32 s18, $0x0;
	[sflag:s14] =	ssyncset.done $0x0  }
0x2e: {  	s20 =	simm.s32 @!p0 $0x3;
	[sflag:s14] =	ssyncadd.s32 $0xFFFFB000  }
0x2f: {  	_ =	swait.ge @!p0 [sflag:s20], $0x4600  }
0x30: {  	s19 =	sshll.u32 s18, $0x1;
	[sflag:s20] =	ssyncset.done @!p0 $0x0  }
0x31: {  	s19 =	sor.u32 s5, s19;
	[sflag:s20] =	ssyncadd.s32 @!p0 $0xFFFFBA00  }
0x32: {  	s21 =	smul.u32 $0xC00, s19;
	_ =	swait.ge @!p0 [sflag:s20], $0xA00  }
0x33: {  	[sflag:s20] =	ssyncset.done @!p0 $0x0  }
0x34: {  	[sflag:s20] =	ssyncadd.s32 @!p0 $0xFFFFF600;
	s20 =	sadd.s32 s6, s21  }
0x35: {  	[hbm4b:s20+s12] =	stream.strided.scatter [tilespmem:s11], [sflag:$0x3], $0x380, s15, s12, $0x38;
	[tilespmem:$0xE000] =	vst v63  }
0x36: {  	s22 =	simm.s32 $0x4400;
	s21 =	sadd.s32 $0x10, s20  }
0x37: {  	[hbm4b:s21+s12] =	stream.strided.scatter [tilespmem:s22], [sflag:$0x3], $0x380, s15, s12, $0x38;
	[tilespmem:$0xE000] =	vst v63  }
0x38: {  	s24 =	simm.s32 $0x4800;
	s23 =	sadd.s32 $0x20, s20  }
0x39: {  	[hbm4b:s23+s12] =	stream.strided.scatter [tilespmem:s24], [sflag:$0x3], $0x380, s15, s12, $0x38;
	[tilespmem:$0xE000] =	vst v63  }
0x3a: {  	s23 =	sadd.s32 $0x30, s20;
	s24 =	simm.s32 $0x4C00  }
0x3b: {  	[hbm4b:s23+s12] =	stream.strided.scatter [tilespmem:s24], [sflag:$0x3], $0x380, s15, s12, $0x38;
	[tilespmem:$0xE000] =	vst v63  }
0x3c: {  	s23 =	sadd.s32 $0x40, s20;
	s24 =	simm.s32 $0x5000  }
0x3d: {  	[hbm4b:s23+s12] =	stream.strided.scatter [tilespmem:s24], [sflag:$0x3], $0x380, s15, s12, $0x38;
	[tilespmem:$0xE000] =	vst v63  }
0x3e: {  	s23 =	sadd.s32 $0x50, s20;
	s24 =	simm.s32 $0x5400  }
0x3f: {  	[hbm4b:s23+s12] =	stream.strided.scatter [tilespmem:s24], [sflag:$0x3], $0x380, s15, s12, $0x38;
	[tilespmem:$0xE000] =	vst v63  }
0x40: {  	s23 =	sadd.s32 $0x60, s20;
	s24 =	simm.s32 $0x5800  }
0x41: {  	[hbm4b:s23+s12] =	stream.strided.scatter [tilespmem:s24], [sflag:$0x3], $0x380, s15, s12, $0x38;
	[tilespmem:$0xE000] =	vst v63  }
0x42: {  	s23 =	sadd.s32 $0x70, s20;
	s24 =	simm.s32 $0x5C00  }
0x43: {  	[hbm4b:s23+s12] =	stream.strided.scatter [tilespmem:s24], [sflag:$0x3], $0x380, s15, s12, $0x38;
	[tilespmem:$0xE000] =	vst v63  }
0x44: {  	s23 =	sadd.s32 $0x400, s20;
	s24 =	simm.s32 $0x6000  }
0x45: {  	[hbm4b:s23+s12] =	stream.strided.scatter [tilespmem:s24], [sflag:$0x3], $0x380, s15, s12, $0x38;
	[tilespmem:$0xE000] =	vst v63  }
0x46: {  	s23 =	sadd.s32 $0x410, s20;
	s24 =	simm.s32 $0x6400  }
0x47: {  	[hbm4b:s23+s12] =	stream.strided.scatter [tilespmem:s24], [sflag:$0x3], $0x380, s15, s12, $0x38;
	[tilespmem:$0xE000] =	vst v63  }
0x48: {  	s23 =	sadd.s32 $0x420, s20;
	s24 =	simm.s32 $0x6800  }
0x49: {  	[hbm4b:s23+s12] =	stream.strided.scatter [tilespmem:s24], [sflag:$0x3], $0x380, s15, s12, $0x38;
	[tilespmem:$0xE000] =	vst v63  }
0x4a: {  	s23 =	sadd.s32 $0x430, s20;
	s24 =	simm.s32 $0x6C00  }
0x4b: {  	[hbm4b:s23+s12] =	stream.strided.scatter [tilespmem:s24], [sflag:$0x3], $0x380, s15, s12, $0x38;
	[tilespmem:$0xE000] =	vst v63  }
0x4c: {  	s23 =	sadd.s32 $0x440, s20;
	s24 =	simm.s32 $0x7000  }
0x4d: {  	[hbm4b:s23+s12] =	stream.strided.scatter [tilespmem:s24], [sflag:$0x3], $0x380, s15, s12, $0x38;
	[tilespmem:$0xE000] =	vst v63  }
0x4e: {  	s23 =	sadd.s32 $0x450, s20;
	s24 =	simm.s32 $0x7400  }
0x4f: {  	[hbm4b:s23+s12] =	stream.strided.scatter [tilespmem:s24], [sflag:$0x3], $0x380, s15, s12, $0x38;
	[tilespmem:$0xE000] =	vst v63  }
0x50: {  	s23 =	sadd.s32 $0x460, s20;
	s24 =	simm.s32 $0x7800  }
0x51: {  	[hbm4b:s23+s12] =	stream.strided.scatter [tilespmem:s24], [sflag:$0x3], $0x380, s15, s12, $0x38;
	[tilespmem:$0xE000] =	vst v63  }
0x52: {  	s23 =	sadd.s32 $0x470, s20;
	s24 =	simm.s32 $0x7C00  }
0x53: {  	[hbm4b:s23+s12] =	stream.strided.scatter [tilespmem:s24], [sflag:$0x3], $0x380, s15, s12, $0x38;
	[tilespmem:$0xE000] =	vst v63  }
0x54: {  	s23 =	sadd.s32 $0x800, s20;
	s24 =	simm.s32 $0x8000  }
0x55: {  	[hbm4b:s23+s12] =	stream.strided.scatter [tilespmem:s24], [sflag:$0x3], $0x380, s15, s12, $0x38;
	[tilespmem:$0xE000] =	vst v63  }
0x56: {  	s23 =	sadd.s32 $0x810, s20;
	s24 =	simm.s32 $0x8400  }
0x57: {  	[hbm4b:s23+s12] =	stream.strided.scatter [tilespmem:s24], [sflag:$0x3], $0x380, s15, s12, $0x38;
	[tilespmem:$0xE000] =	vst v63  }
0x58: {  	s23 =	sadd.s32 $0x820, s20;
	s24 =	simm.s32 $0x8800  }
0x59: {  	[hbm4b:s23+s12] =	stream.strided.scatter [tilespmem:s24], [sflag:$0x3], $0x380, s15, s12, $0x38;
	[tilespmem:$0xE000] =	vst v63  }
0x5a: {  	s20 =	sadd.s32 $0x830, s20;
	s23 =	smul.u32 $0x180, s19;
	s24 =	simm.s32 $0x8C00  }
0x5b: {  	[hbm4b:s20+s12] =	stream.strided.scatter [tilespmem:s24], [sflag:$0x3], $0x380, s15, s12, $0x38;
	[tilespmem:$0xE000] =	vst v63  }
0x5c: {  	s21 =	simm.s32 $0x4380;
	s20 =	sadd.s32 s3, s23  }
0x5d: {  	s22 =	simm.s32 $0x10;
	s23 =	simm.s32 $0x4780;
	s24 =	sadd.s32 $0x0, s20  }
.LBB2_3:
0x5e: {  	[hbm4b:s24+s4] =	stream.linear.scatter [tilespmem:s21], [sflag:$0x3], $0x80, $0x38;
	[tilespmem:$0xE000] =	vst v63  }
0x5f: {  	s24 =	smov.u32 s22;
	s21 =	smov.u32 s23;
	p1 =	sne.s32 s22, $0x130  }
.Ltmp2:
0x60: {  	s22 =	sadd.s32 $0x10, s22;
	(pc) =	sbr.rel @p1 .LBB2_3-.Ltmp2, $2  }
0x61: {  	_ =	sdelay $0x2  }
0x62: {  	s23 =	sadd.s32 $0x400, s23;
	s24 =	sadd.s32 s24, s20  }
0x63: {  	p1 =	sne.s32 s18, $0x3F  }
.Ltmp3:
0x64: {  	_ = 	snop;
	(pc) =	sbr.rel @p1 .LBB2_6-.Ltmp3, $2  }
0x65: {  	_ =	sdelay $0x2  }
0x66: {  	[hbm4b:s24+s4] =	stream.linear.scatter [tilespmem:s21], [sflag:$0x3], $0x80, $0x38;
	[tilespmem:$0xE000] =	vst v63  }
.Ltmp4:
0x67: {  	(pc) =	sbr.rel .LBB2_7-.Ltmp4, $4  }
0x68: {  	_ = 	snop  }
0x69: {  	_ =	swait.ge [sflag:s9], $0x5000  }
0x6a: {  	[sflag:s9] =	ssyncset.done $0x0  }
0x6b: {  	[sflag:s9] =	ssyncadd.s32 $0xFFFFB000  }
.LBB2_6:
0x6c: {  	s20 =	sshll.u32 s18, $0x8  }
0x6d: {  	s20 =	sand.u32 $0x3FFFFF00, s20  }
.Ltmp5:
0x6e: {  	s20 =	sadd.s32 $0x100, s20;
	(pc) =	sbr.rel @p0 .LBB2_8-.Ltmp5, $4  }
0x6f: {  	[tilespmem:s11], [sflag:$0x1] =	stream.indirect.gather [hbm4b:s1+s10], $0x400, s20, s10, $0xb8;
	[tilespmem:$0xE000] =	vst v63  }
0x70: {  	_ =	swait.ge [sflag:s9], $0x5000  }
0x71: {  	[sflag:s9] =	ssyncset.done $0x0  }
0x72: {  	[sflag:s9] =	ssyncadd.s32 $0xFFFFB000  }
.LBB2_7:
0x73: {  	_ =	swait.ge [sflag:s16], $0x4600  }
0x74: {  	[sflag:s16] =	ssyncset.done $0x0  }
0x75: {  	[sflag:s16] =	ssyncadd.s32 $0xFFFFBA00  }
0x76: {  	_ =	swait.ge [sflag:s16], $0xA00  }
0x77: {  	[sflag:s16] =	ssyncset.done $0x0  }
0x78: {  	[sflag:s16] =	ssyncadd.s32 $0xFFFFF600  }
.LBB2_8:
0x79: {  	s19 =	sor.u32 $0x1, s19  }
0x7a: {  	s20 =	smul.u32 $0xC00, s19;
	_ =	sdelay $0x1  }
0x7b: {  	s20 =	sadd.s32 s6, s20  }
0x7c: {  	[hbm4b:s20+s12] =	stream.strided.scatter [tilespmem:s13], [sflag:$0x4], $0x380, s15, s12, $0x38;
	[tilespmem:$0xE000] =	vst v63  }
0x7d: {  	s22 =	simm.s32 $0x9400;
	s21 =	sadd.s32 $0x10, s20  }
0x7e: {  	[hbm4b:s21+s12] =	stream.strided.scatter [tilespmem:s22], [sflag:$0x4], $0x380, s15, s12, $0x38;
	[tilespmem:$0xE000] =	vst v63  }
0x7f: {  	s24 =	simm.s32 $0x9800;
	s23 =	sadd.s32 $0x20, s20  }
0x80: {  	[hbm4b:s23+s12] =	stream.strided.scatter [tilespmem:s24], [sflag:$0x4], $0x380, s15, s12, $0x38;
	[tilespmem:$0xE000] =	vst v63  }
0x81: {  	s23 =	sadd.s32 $0x30, s20;
	s24 =	simm.s32 $0x9C00  }
0x82: {  	[hbm4b:s23+s12] =	stream.strided.scatter [tilespmem:s24], [sflag:$0x4], $0x380, s15, s12, $0x38;
	[tilespmem:$0xE000] =	vst v63  }
0x83: {  	s23 =	sadd.s32 $0x40, s20;
	s24 =	simm.s32 $0xA000  }
0x84: {  	[hbm4b:s23+s12] =	stream.strided.scatter [tilespmem:s24], [sflag:$0x4], $0x380, s15, s12, $0x38;
	[tilespmem:$0xE000] =	vst v63  }
0x85: {  	s23 =	sadd.s32 $0x50, s20;
	s24 =	simm.s32 $0xA400  }
0x86: {  	[hbm4b:s23+s12] =	stream.strided.scatter [tilespmem:s24], [sflag:$0x4], $0x380, s15, s12, $0x38;
	[tilespmem:$0xE000] =	vst v63  }
0x87: {  	s23 =	sadd.s32 $0x60, s20;
	s24 =	simm.s32 $0xA800  }
0x88: {  	[hbm4b:s23+s12] =	stream.strided.scatter [tilespmem:s24], [sflag:$0x4], $0x380, s15, s12, $0x38;
	[tilespmem:$0xE000] =	vst v63  }
0x89: {  	s23 =	sadd.s32 $0x70, s20;
	s24 =	simm.s32 $0xAC00  }
0x8a: {  	[hbm4b:s23+s12] =	stream.strided.scatter [tilespmem:s24], [sflag:$0x4], $0x380, s15, s12, $0x38;
	[tilespmem:$0xE000] =	vst v63  }
0x8b: {  	s22 =	sadd.s32 $0x400, s20;
	s23 =	simm.s32 $0xB000  }
0x8c: {  	[hbm4b:s22+s12] =	stream.strided.scatter [tilespmem:s23], [sflag:$0x4], $0x380, s15, s12, $0x38;
	[tilespmem:$0xE000] =	vst v63  }
0x8d: {  	s24 =	sadd.s32 $0x410, s20  }
0x8e: {  	[hbm4b:s24+s12] =	stream.strided.scatter [tilespmem:s25], [sflag:$0x4], $0x380, s15, s12, $0x38;
	[tilespmem:$0xE000] =	vst v63  }
0x8f: {  	s22 =	sadd.s32 $0x420, s20  }
0x90: {  	[hbm4b:s22+s12] =	stream.strided.scatter [tilespmem:s26], [sflag:$0x4], $0x380, s15, s12, $0x38;
	[tilespmem:$0xE000] =	vst v63  }
0x91: {  	s23 =	sadd.s32 $0x430, s20  }
0x92: {  	[hbm4b:s23+s12] =	stream.strided.scatter [tilespmem:s28], [sflag:$0x4], $0x380, s15, s12, $0x38;
	[tilespmem:$0xE000] =	vst v63  }
0x93: {  	s24 =	sadd.s32 $0x440, s20  }
0x94: {  	[hbm4b:s24+s12] =	stream.strided.scatter [tilespmem:s29], [sflag:$0x4], $0x380, s15, s12, $0x38;
	[tilespmem:$0xE000] =	vst v63  }
0x95: {  	s22 =	sadd.s32 $0x450, s20  }
0x96: {  	[hbm4b:s22+s12] =	stream.strided.scatter [tilespmem:s30], [sflag:$0x4], $0x380, s15, s12, $0x38;
	[tilespmem:$0xE000] =	vst v63  }
0x97: {  	s23 =	sadd.s32 $0x460, s20  }
0x98: {  	[hbm4b:s23+s12] =	stream.strided.scatter [tilespmem:s31], [sflag:$0x4], $0x380, s15, s12, $0x38;
	[tilespmem:$0xE000] =	vst v63  }
0x99: {  	s24 =	sadd.s32 $0x470, s20  }
0x9a: {  	[hbm4b:s24+s12] =	stream.strided.scatter [tilespmem:s0], [sflag:$0x4], $0x380, s15, s12, $0x38;
	[tilespmem:$0xE000] =	vst v63  }
0x9b: {  	s22 =	sadd.s32 $0x800, s20  }
0x9c: {  	[hbm4b:s22+s12] =	stream.strided.scatter [tilespmem:s2], [sflag:$0x4], $0x380, s15, s12, $0x38;
	[tilespmem:$0xE000] =	vst v63  }
0x9d: {  	s23 =	sadd.s32 $0x810, s20  }
0x9e: {  	[hbm4b:s23+s12] =	stream.strided.scatter [tilespmem:s7], [sflag:$0x4], $0x380, s15, s12, $0x38;
	[tilespmem:$0xE000] =	vst v63  }
0x9f: {  	s19 =	smul.u32 $0x180, s19;
	s24 =	sadd.s32 $0x820, s20  }
0xa0: {  	[hbm4b:s24+s12] =	stream.strided.scatter [tilespmem:s8], [sflag:$0x4], $0x380, s15, s12, $0x38;
	[tilespmem:$0xE000] =	vst v63  }
0xa1: {  	s19 =	sadd.s32 s3, s19;
	s21 =	simm.s32 $0x10;
	s20 =	sadd.s32 $0x830, s20  }
0xa2: {  	[hbm4b:s20+s12] =	stream.strided.scatter [tilespmem:s17], [sflag:$0x4], $0x380, s15, s12, $0x38;
	[tilespmem:$0xE000] =	vst v63  }
0xa3: {  	s22 =	simm.s32 $0x9780;
	s23 =	sadd.s32 $0x0, s19;
	s20 =	simm.s32 $0x9380  }
.LBB2_9:
0xa4: {  	[hbm4b:s23+s4] =	stream.linear.scatter [tilespmem:s20], [sflag:$0x4], $0x80, $0x38;
	[tilespmem:$0xE000] =	vst v63  }
0xa5: {  	s23 =	smov.u32 s21;
	s20 =	smov.u32 s22;
	p0 =	sne.s32 s21, $0x130  }
.Ltmp6:
0xa6: {  	s21 =	sadd.s32 $0x10, s21;
	(pc) =	sbr.rel @p0 .LBB2_9-.Ltmp6, $2  }
0xa7: {  	_ =	sdelay $0x2  }
0xa8: {  	s22 =	sadd.s32 $0x400, s22;
	s23 =	sadd.s32 s23, s19  }
0xa9: {  	p0 =	seq.s32 s18, $0x3F  }
.Ltmp7:
0xaa: {  	_ = 	snop;
	(pc) =	sbr.rel @p0 .LBB2_12-.Ltmp7, $2  }
0xab: {  	_ =	sdelay $0x2  }
0xac: {  	[hbm4b:s23+s4] =	stream.linear.scatter [tilespmem:s20], [sflag:$0x4], $0x80, $0x38;
	[tilespmem:$0xE000] =	vst v63  }
.Ltmp8:
0xad: {  	(pc) =	sbr.rel .LBB2_2-.Ltmp8, $4  }
0xae: {  	s19 =	sshll.u32 s18, $0x8  }
0xaf: {  	s19 =	sand.u32 $0x3FFFFF00, s19  }
0xb0: {  	s18 =	sadd.s32 $0x1, s18;
	s19 =	sadd.s32 $0x180, s19  }
0xb1: {  	[tilespmem:s13], [sflag:$0x2] =	stream.indirect.gather [hbm4b:s1+s10], $0x400, s19, s10, $0xb8;
	[tilespmem:$0xE000] =	vst v63  }
.LBB2_13:
0xb2: {  	_ =	sfence.sel $0x180000  }
0xb3: {  	[bflag:$0x0] =	sbarrier.arrive $0xFFFF  }
0xb4: {  	_ =	strace $0x90000047  }
0xb5: {  	s0 =	stileid.u32;
	[bflag:$0x2] =	sbarrier.arrive $0xFFFF  }
0xb6: {  	p0 =	sne.s32 s0, $0x0;
	s0 =	rddreg [dreg:$0x3]  }
0xb7: {  	s0 =	sadd.s32 @!p0 $0x100000, s0  }
0xb8: {  	[sflag:s0] =	ssyncadd.tile.s32 @!p0 $0x1;
	_ =	shalt  }
.Lfunc_end2:
_tile_overlayer_lowered:
.L_overlay_start_2:
0xb9: {  	(tag) =	ssettag $0x2  }
0xba: {  	s0 =	rddreg [dreg:$0x0];
	s2 =	stileid.u32  }
0xbb: {  	s1 =	rddreg [dreg:$0x1];
	p0 =	sne.s32 s2, $0x0  }
0xbc: {  	s3 =	rddreg [dreg:$0x2];
	[bflag:$0x3] =	sbarrier.arrive $0xFFFF;
	s2 =	simm.s32 @!p0 $0x1C05  }
0xbd: {  	[timem:s3], [sflag:s2] =	dma.local @!p0 [hbm:s0], s1  }
0xbe: {  	s0 =	simm.s32 @!p0 $0x5  }
0xbf: {  	_ =	swait.ge @!p0 [sflag:s0], s1  }
0xc0: {  	s1 =	ssub.s32 @!p0 $0x0, s1;
	[sflag:s0] =	ssyncset.done @!p0 $0x0  }
0xc1: {  	[sflag:s0] =	ssyncadd.s32 @!p0 s1  }
0xc2: {  	[bflag:$0x3] =	sbarrier.arrive $0xFFFF  }
0xc3: {  	_ =	shalt  }

// kernel: sparse-core-data-format-call.cloned.1.call-start
scs
called_computation_lowered:
.L_overlay_start_0:
0x0: {  	s2 =	sld [smem:$0x3FD9]  }
0x1: {  	s3 =	sld [smem:$0x3FFE];
	_ =	sdelay $0x1  }
0x2: {  	s1 =	srdreg.scid  }
0x3: {  	s0 =	sand.u32 $0x1, s1  }
0x4: {  	s18 =	sshll.u32 s0, $0xA;
	s2 =	sadd.s32 s3, s2  }
0x5: {  	s2 =	sadd.s32 s2, s18  }
0x6: {  	[smem:$0x3FC6] =	sst s2  }
0x7: {  	_ = 	snop  }
0x8: {  	s2 =	sld [smem:$0x3FD0];
	(tm) =	ssettm $0x1  }
0x9: {  	s19 =	sld [smem:$0x3FFB];
	_ =	sdelay $0x3  }
0xa: {  	_ =	strace s19  }
0xb: {  	s3 =	sld [smem:$0x3FFC];
	_ =	sdelay $0x3  }
0xc: {  	_ =	strace s3  }
0xd: {  	s3 =	sld [smem:$0x3FFD];
	_ =	sdelay $0x3  }
0xe: {  	_ =	strace s3  }
0xf: {  	_ =	strace $0x8FFFFFFF  }
0x10: {  	s20 =	sld [smem:$0x3FDB];
	_ =	sdelay $0x1  }
0x11: {  	s4 =	simm.s32 $_scs_section_size  }
0x12: {  	s5 =	simm.s32 $_size__tile_overlayer_lowered;
	s6 =	simm.s32 $_tile_overlayer_lowered  }
0x13: {  	s23 =	simm.s32 $0x1BFF;
	s22 =	sshll.u32 s6, $0x1;
	s3 =	sadd.s32 s4, s20  }
0x14: {  	s7 =	simm.s32 $0x0;
	s21 =	sshll.u32 s5, $0x1;
	s5 =	sadd.s32 s22, s3  }
0x15: {  	[timem:s7], [sflag:s23] =	dma.local [hbm:s5], s21  }
0x16: {  	_ =	swait.ge [sflag:s23], s21  }
0x17: {  	s4 =	ssub.s32 $0x0, s21;
	[sflag:s23] =	ssyncset.done $0x0  }
0x18: {  	[sflag:s23] =	ssyncadd.s32 s4;
	_ =	sdelay $0x1  }
0x19: {  	s24 =	simm.s32 $0x1B8B  }
0x1a: {  	_ =	swait.ge [sflag:s24], $0x1  }
0x1b: {  	[sflag:s24] =	ssyncset.done $0x0  }
0x1c: {  	s26 =	simm.s32 $0x1B8E;
	s25 =	sld [smem:$0x3FFE];
	[sflag:s24] =	ssyncadd.s32 $0xFFFFFFFF  }
0x1d: {  	s27 =	simm.s32 $execute0_lowered;
	[smem:$0x3FD2] =	sst s26  }
0x1e: {  	s5 =	sshll.u32 s27, $0x1;
	_ =	strace $0x80000049;
	[dreg:$0x1] =	wrdreg $0xFFFFFFFF  }
0x1f: {  	s28 =	simm.s32 $_size_execute0_lowered;
	s3 =	sadd.s32 s3, s5;
	[dreg:$0x0] =	wrdreg $0x0  }
0x20: {  	s5 =	sshll.u32 s28, $0x1;
	[dreg:$0x2] =	wrdreg s3  }
0x21: {  	[dreg:$0x3] =	wrdreg s5  }
0x22: {  	[dreg:$0x4] =	wrdreg $0xC0  }
0x23: {  	_ =	task [dreg:s7], $0x5FFFF  }
0x24: {  	[dreg:$0x1] =	wrdreg $0xFFFFFFFF  }
0x25: {  	[dreg:$0x0] =	wrdreg $0x60  }
0x26: {  	[dreg:$0x2] =	wrdreg s25  }
0x27: {  	[dreg:$0x3] =	wrdreg s2  }
0x28: {  	[dreg:$0x4] =	wrdreg $0x9  }
0x29: {  	_ =	task.clear_ibuf [dreg:s7], $0x5FFFF;
	_ =	strace $0x90000049  }
0x2a: {  	s29 =	simm.s32 $0x9;
	_ =	strace $0x8000004B  }
0x2b: {  	_ =	swait.ge [sflag:s29], $0x1  }
0x2c: {  	[sflag:s29] =	ssyncadd.s32 $0xFFFFFFFF  }
0x2d: {  	_ =	strace $0x9000004B  }
0x2e: {  	_ =	sfence  }
0x2f: {  	s30 =	sld [smem:$0x0];
	_ =	sdelay $0x2  }
0x30: {  	s31 =	sshll.u32 s1, $0xD;
	s1 =	sshrl.u32 s1, $0x2  }
0x31: {  	s3 =	sand.u32 $0x4000, s31;
	s1 =	sadd.s32 s1, s30  }
0x32: {  	s0 =	sor.u32 s3, s0;
	s1 =	sshll.u32 s1, $0x11  }
0x33: {  	s0 =	sor.u32 s1, s0  }
0x34: {  	s0 =	sadd.s32 $0x8F2B, s0  }
0x35: {  	[sflag:s0] =	ssyncadd.remote.s32 $0x1  }
0x36: {  	_ =	sfence.sel $0xFFFF  }
0x37: {  	[dreg:$0x0] =	wrdreg $0xFFFFFFFF;
	(pc) =	sbr.abs _section_cstart, $3  }
0x38: {  	[dreg:$0x1] =	wrdreg $0xFFFFFFFF  }
0x39: {  	_ =	task.clear_ibuf [dreg:s7], $0x2FFFF;
	_ =	strace $0x9FFFFFFF  }
0x3a: {  	(tm) =	ssettm $0x7FFFFFFF  }
0x3b: {  	_ =	shalt  }
tec
execute0_lowered:
.L_overlay_start_1:
0x0: {  	(tag) =	ssettag $0x1  }
0x1: {  	s0 =	srdreg.scid;
	s6 =	rddreg [dreg:$0x0]  }
0x2: {  	s3 =	rddreg [dreg:$0x1];
	s1 =	sshll.u32 s0, $0x4  }
0x3: {  	s5 =	simm.s32 $0x1;
	s0 =	stileid.u32;
	s1 =	sand.u32 $0x10, s1  }
0x4: {  	s31 =	simm.s32 $0x2;
	s16 =	simm.s32 $0x0;
	s1 =	sor.u32 s0, s1  }
0x5: {  	s8 =	simm.s32 $0x8000;
	s18 =	simm.s32 $0x0;
	s2 =	sshll.u32 s1, $0x7  }
0x6: {  	s17 =	simm.s32 $0x0;
	s9 =	simm.s32 $0x0;
	s4 =	ssub.s32 $0x1000, s2  }
0x7: {  	s10 =	simm.s32 $0x0;
	s11 =	simm.s32 $0x0;
	s30 =	sand.u32 $0xF80, s4  }
0x8: {  	s12 =	simm.s32 $0x0;
	s13 =	simm.s32 $0x0;
	p0 =	sne.s32 s30, $0x0  }
.Ltmp0:
0x9: {  	s7 =	sshrl.u32 s4, $0xC;
	s5 =	simm.s32 @!p0 $0x0;
	(pc) =	sbr.rel .LBB1_1-.Ltmp0, $4  }
0xa: {  	s15 =	simm.s32 $0x0;
	s1 =	rddreg [dreg:$0x2];
	s5 =	sadd.s32 s5, s7  }
0xb: {  	_ =	strace $0x8000004A;
	s4 =	simm.s32 $0x1;
	s5 =	smul.u32 $0xA0, s5  }
0xc: {  	s6 =	sadd.s32 $0x10C00, s6;
	s14 =	smov.u32 s2;
	[sflag:s4] =	ssyncpa.u1 $0x0  }
0xd: {  	[sflag:s31] =	ssyncpa.u1 $0x0;
	p0 =	por $0x0, $0x0;
	s7 =	sor.u32 $0x1, s5  }
.LBB1_4:
0xe: {  	s23 =	sshra.s32 s23, $0x2;
	s30 =	sshll.u32 s9, $0xC  }
0xf: {  	p1 =	sgt.s32 s10, $0x13;
	s24 =	smov.u32 s10;
	s25 =	sshra.s32 s10, $0x1F  }
0x10: {  	s26 =	sshll.u32 s11, $0x3;
	s28 =	smov.u32 s11;
	s29 =	sshra.s32 s11, $0x1F  }
0x11: {  	s22 =	sadd.s32 s23, s22;
	s24 =	simm.s32 @!p1 $0x13;
	s25 =	sand.u32 s25, s10  }
0x12: {  	s23 =	sand.u32 $0xFFFF8000, s30;
	s27 =	sand.u32 $0xFFFFFC00, s26;
	p1 =	sgt.s32 s9, $0x368  }
0x13: {  	s31 =	sand.u32 s29, s11;
	s29 =	sshll.u32 s9, $0x7;
	s30 =	sshra.s32 s9, $0x1F  }
0x14: {  	[tilespmem:s21+$0x2040 ss:$0x81] =	vst.msk $0xffff, v4;
	s24 =	ssub.s32 s24, s25;
	s23 =	sadd.s32 s27, s23;
	s27 =	smov.u32 s9  }
0x15: {  	[tilespmem:s21+$0x2850 ss:$0x81] =	vst.msk $0xffff, v3;
	s29 =	sand.u32 $0x380, s29;
	s25 =	sadd.s32 $0xFFFFFFED, s24;
	s27 =	simm.s32 @!p1 $0x368  }
0x16: {  	v5 =	vld [tilespmem:s20+$0xFFFFFFD0];
	[tilespmem:s21+$0x3060 ss:$0x81] =	vst.msk $0xffff, v2;
	p1 =	sgt.s32 s11, $0xF80;
	s23 =	sshrl.u32 s23, $0xC;
	s24 =	ssub.s32 $0x14, s24  }
0x17: {  	v58 =	vld [tilespmem:s20+$0xFFFFFFE0];
	[tilespmem:s21+$0x0 ss:$0x81] =	vst.msk $0xffff, v1;
	s28 =	simm.s32 @!p1 $0xF80;
	p1 =	sgt.s32 s25, $0x0;
	s21 =	smulhi.u32 $0x418938, s23  }
0x18: {  	v59 =	vld [tilespmem:s20+$0xFFFFFFF0];
	s25 =	ssub.s32 s28, s31;
	s28 =	sand.u32 s30, s9;
	s24 =	simm.s32 @p1 $0x0  }
0x19: {  	v60 =	vld [tilespmem:s20+$0x0];
	s27 =	ssub.s32 s27, s28;
	s31 =	sadd.s32 $0xFFFFF080, s25;
	s25 =	ssub.s32 $0x1000, s25  }
0x1a: {  	v61 =	vld [tilespmem:s20+$0x10];
	[tilespmem:s22+$0x3870 ss:$0x81] =	vst.msk $0xffff, v0;
	s21 =	smul.u32 $0x3E8, s21;
	s28 =	sand.u32 $0x7, s11;
	p1 =	sgt.s32 s31, $0x7F  }
0x1b: {  	v62 =	vld [tilespmem:s20+$0x20];
	[tilespmem:s22+$0x810 ss:$0x81] =	vst.msk $0xffff, v5;
	s30 =	sadd.s32 $0xFFFFFC98, s27;
	s31 =	sand.u32 $0x78, s11;
	s25 =	simm.s32 @p1 $0x0  }
0x1c: {  	v63 =	vld [tilespmem:s20+$0xFFFFFFC0];
	[tilespmem:s22+$0x1020 ss:$0x81] =	vst.msk $0xffff, v58;
	p1 =	sgt.s32 s30, $0x7F;
	s30 =	sand.u32 $0xC00, s26;
	s24 =	smul.u32 s25, s24  }
0x1d: {  	[tilespmem:s22+$0x1830 ss:$0x81] =	vst.msk $0xffff, v59;
	s26 =	ssub.s32 $0x3E8, s27;
	s20 =	sor.u32 s31, s30;
	s31 =	smul.u32 $0x7D000, s10  }
0x1e: {  	[tilespmem:s22+$0x2040 ss:$0x81] =	vst.msk $0xffff, v60;
	s21 =	ssub.s32 s23, s21;
	s26 =	simm.s32 @p1 $0x0;
	s20 =	sor.u32 s29, s20  }
0x1f: {  	[tilespmem:s22+$0x2850 ss:$0x81] =	vst.msk $0xffff, v61;
	s26 =	smul.u32 s26, s24;
	s20 =	sshrl.u32 s20, $0x3;
	s27 =	sadd.s32 s3, s31  }
0x20: {  	[tilespmem:s22+$0x3060 ss:$0x81] =	vst.msk $0xffff, v62;
	s21 =	sshll.u32 s21, $0x9;
	s29 =	sshll.u32 s28, $0x12;
	s20 =	sadd.s32 s20, s27  }
0x21: {  	[tilespmem:s22+$0x0 ss:$0x81] =	vst.msk $0xffff, v63;
	s31 =	sor.u32 $0x400, s29;
	s30 =	sand.u32 $0x3FFFFFFF, s26;
	s20 =	sadd.s32 s21, s20  }
0x22: {  	[hbm4b:s20+s31] =	stream.strided.scatter [tilespmem:s19], [sflag:$0x2], s30, s8, s31, $0x20;
	[tilespmem:$0x10100] =	vst v63  }
.LBB1_5:
0x23: {  	p1 =	slt.u32 s15, $0x2  }
0x24: {  	p2 =	sgt.s32 @!p1 s18, $0x13  }
0x25: {  	s19 =	smov.u32 s18;
	s20 =	sshra.s32 @!p1 s18, $0x1F;
	p2 =	por !p2, p1  }
0x26: {  	s18 =	sand.u32 @!p1 s20, s18;
	s19 =	simm.s32 @p2 $0x13  }
0x27: {  	p3 =	sgt.s32 @!p1 s16, $0x368;
	s18 =	ssub.s32 @!p1 s19, s18  }
0x28: {  	p4 =	sgt.s32 @!p1 s17, $0xF80;
	s21 =	sshra.s32 @!p1 s17, $0x1F;
	s19 =	sadd.s32 @!p1 $0xFFFFFFED, s18  }
0x29: {  	s20 =	smov.u32 s16;
	p2 =	sgt.s32 @!p1 s19, $0x0;
	s19 =	sshra.s32 @!p1 s16, $0x1F  }
0x2a: {  	p4 =	por !p4, p1;
	s16 =	sand.u32 @!p1 s19, s16;
	s19 =	smov.u32 s17  }
0x2b: {  	p3 =	por !p3, p1;
	s17 =	sand.u32 @!p1 s21, s17;
	s19 =	simm.s32 @p4 $0xF80  }
0x2c: {  	s20 =	simm.s32 @p3 $0x368;
	s18 =	ssub.s32 @!p1 $0x14, s18;
	s17 =	ssub.s32 @!p1 s19, s17  }
0x2d: {  	p2 =	por !p2, p1;
	s16 =	ssub.s32 @!p1 s20, s16;
	s20 =	sadd.s32 @!p1 $0xFFFFF080, s17  }
0x2e: {  	s18 =	simm.s32 @!p2 $0x0;
	p3 =	sgt.s32 @!p1 s20, $0x7F  }
0x2f: {  	s19 =	sadd.s32 @!p1 $0xFFFFFC98, s16;
	s17 =	ssub.s32 @!p1 $0x1000, s17;
	p3 =	por !p3, p1  }
0x30: {  	p2 =	sgt.s32 @!p1 s19, $0x7F;
	s19 =	sadd.s32 $0x80, s12;
	s17 =	simm.s32 @!p3 $0x0  }
0x31: {  	p3 =	sgt.s32 s19, $0x3E7;
	s17 =	smul.u32 @!p1 s17, s18;
	s18 =	simm.s32 $0x1  }
0x32: {  	s16 =	ssub.s32 @!p1 $0x3E8, s16;
	p2 =	por !p2, p1;
	s18 =	simm.s32 @!p3 $0x0  }
0x33: {  	s21 =	smov.u32 s14;
	s16 =	simm.s32 @!p2 $0x0;
	s20 =	sadd.s32 s18, s13  }
0x34: {  	s16 =	smul.u32 @!p1 s16, s17;
	s17 =	sadd.s32 $0x1000, s14;
	p2 =	sgt.s32 s20, $0x13  }
0x35: {  	p0 =	por !p0, !p0;
	s22 =	simm.s32 @!p1 $0x2;
	s21 =	smov.u32 @p2 s17  }
0x36: {  	s19 =	simm.s32 @p3 $0x0;
	s20 =	simm.s32 @p2 $0x0;
	p2 =	sgt.s32 s21, $0xFFF  }
0x37: {  	s18 =	smov.u32 s10;
	s21 =	smov.u32 @p2 s2;
	p2 =	sne.s32 s15, s7  }
.Ltmp1:
0x38: {  	s10 =	smov.u32 s13;
	s16 =	sand.u32 @!p1 $0x3FFFFFFF, s16;
	(pc) =	sbr.rel @!p2 .LBB1_6-.Ltmp1, $4  }
0x39: {  	s17 =	smov.u32 s11;
	s11 =	smov.u32 s14;
	_ =	swait.ge @!p1 [sflag:s22], s16  }
0x3a: {  	s23 =	ssub.s32 @!p1 $0x0, s16;
	s16 =	smov.u32 s9;
	s9 =	smov.u32 s12  }
0x3b: {  	s12 =	smov.u32 s19;
	s13 =	smov.u32 s20;
	[sflag:s22] =	ssyncset.done @!p1 $0x0  }
0x3c: {  	s15 =	sadd.s32 $0x1, s15;
	[sflag:s22] =	ssyncadd.s32 @!p1 s23;
	s14 =	smov.u32 s21  }
.LBB1_1:
0x3d: {  	p1 =	sge.u32 s15, s5  }
0x3e: {  	s19 =	sshll.u32 @!p1 s13, $0xA  }
0x3f: {  	s20 =	sshll.u32 @!p1 s12, $0x3;
	s19 =	sand.u32 @!p1 $0xFFFFE000, s19  }
0x40: {  	s19 =	sadd.s32 @!p1 s19, s20  }
0x41: {  	s19 =	sshrl.u32 @!p1 s19, $0xA  }
0x42: {  	s20 =	smulhi.u32 @!p1 $0xAAAAAAB, s19  }
0x43: {  	s21 =	sshll.u32 @!p1 s13, $0x7;
	s23 =	smul.u32 @!p1 $0xC00, s14  }
0x44: {  	s22 =	sand.u32 @!p1 $0x78, s12;
	s21 =	sand.u32 @!p1 $0x380, s21;
	s20 =	smul.u32 @!p1 $0x18, s20  }
0x45: {  	s31 =	sadd.s32 $0xFFFFFFFF, s15;
	s21 =	sor.u32 @!p1 s22, s21;
	s22 =	sadd.s32 @!p1 s6, s23  }
0x46: {  	s21 =	sshrl.u32 @!p1 s21, $0x3;
	s19 =	ssub.s32 @!p1 s19, s20;
	s20 =	sxor.u32 @!p1 $0xFFFFFFFF, s15  }
0x47: {  	s21 =	sadd.s32 @!p1 s21, s22;
	s22 =	sand.u32 @!p1 $0x7, s12;
	s20 =	sshll.u32 @!p1 s20, $0xE  }
0x48: {  	s22 =	sshll.u32 @!p1 s22, $0x12;
	s19 =	sshll.u32 @!p1 s19, $0x7;
	s20 =	sand.u32 @!p1 $0x4000, s20  }
0x49: {  	s19 =	sadd.s32 @!p1 s19, s21;
	s21 =	sor.u32 @!p1 $0x80, s22;
	s22 =	simm.s32 @!p1 $0x6000  }
0x4a: {  	[tilespmem:s20], [sflag:$0x1] =	stream.strided.gather @!p1 [hbm4b:s19+s21], $0x4000, s22, s21, $0x38;
	[tilespmem:$0x10100] =	vst v63  }
0x4b: {  	p1 =	sge.u32 s31, s5  }
.Ltmp2:
0x4c: {  	_ = 	snop;
	(pc) =	sbr.rel @p1 .LBB1_5-.Ltmp2, $1  }
0x4d: {  	_ =	sdelay $0x3  }
0x4e: {  	s19 =	simm.s32 $0x1  }
0x4f: {  	_ =	swait.ge [sflag:s4], $0x4000;
	s19 =	simm.s32 @!p0 $0x0  }
0x50: {  	[sflag:s4] =	ssyncset.done $0x0;
	s20 =	sshll.u32 s19, $0xE  }
0x51: {  	[sflag:s4] =	ssyncadd.s32 $0xFFFFC000;
	s20 =	sor.u32 $0x40, s20  }
0x52: {  	s19 =	smul.u32 $0x10200, s19;
	v0 =	vld [tilespmem:s20+$0x30]  }
0x53: {  	v1 =	vld [tilespmem:s20+$0xFFFFFFD0]  }
0x54: {  	s19 =	sshrl.u32 s19, $0x2;
	v5 =	vld [tilespmem:s20+$0xFFFFFFE0]  }
0x55: {  	v6 =	vld [tilespmem:s20+$0xFFFFFFF0];
	s22 =	sor.u32 $0x8000, s19  }
0x56: {  	s31 =	sand.u32 $0x1, s15;
	v4 =	vld [tilespmem:s20+$0x0];
	s21 =	sadd.s32 $0x0, s22  }
0x57: {  	v3 =	vld [tilespmem:s20+$0x10];
	s19 =	smul.u32 $0x10200, s31;
	[tilespmem:s21+$0x3870 ss:$0x81] =	vst.msk $0xffff, v0  }
0x58: {  	v2 =	vld [tilespmem:s20+$0x20];
	[tilespmem:s21+$0x810 ss:$0x81] =	vst.msk $0xffff, v1  }
0x59: {  	s19 =	sshrl.u32 s19, $0x2;
	v1 =	vld [tilespmem:s20+$0xFFFFFFC0];
	[tilespmem:s21+$0x1020 ss:$0x81] =	vst.msk $0xffff, v5;
	s20 =	sadd.s32 $0x80, s20  }
0x5a: {  	s23 =	simm.s32 $0x4;
	s24 =	simm.s32 $0x8;
	s19 =	sor.u32 $0x8000, s19;
	[tilespmem:s21+$0x1830 ss:$0x81] =	vst.msk $0xffff, v6;
	v0 =	vld [tilespmem:s20+$0x30]  }
.LBB1_3:
0x5b: {  	p1 =	sne.s32 s24, $0x1FC;
	v5 =	vld [tilespmem:s20+$0xFFFFFFD0];
	[tilespmem:s21+$0x2040 ss:$0x81] =	vst.msk $0xffff, v4  }
0x5c: {  	v6 =	vld [tilespmem:s20+$0xFFFFFFE0];
	[tilespmem:s21+$0x2850 ss:$0x81] =	vst.msk $0xffff, v3  }
0x5d: {  	s25 =	sshra.s32 s23, $0x2;
	s23 =	smov.u32 s24;
	v7 =	vld [tilespmem:s20+$0xFFFFFFF0];
	[tilespmem:s21+$0x3060 ss:$0x81] =	vst.msk $0xffff, v2  }
.Ltmp3:
0x5e: {  	v4 =	vld [tilespmem:s20+$0x0];
	[tilespmem:s21+$0x0 ss:$0x81] =	vst.msk $0xffff, v1;
	s21 =	sadd.s32 s25, s22;
	(pc) =	sbr.rel @p1 .LBB1_3-.Ltmp3, $4  }
0x5f: {  	v3 =	vld [tilespmem:s20+$0x10];
	[tilespmem:s21+$0x3870 ss:$0x81] =	vst.msk $0xffff, v0  }
0x60: {  	[tilespmem:s21+$0x810 ss:$0x81] =	vst.msk $0xffff, v5;
	v2 =	vld [tilespmem:s20+$0x20]  }
0x61: {  	v1 =	vld [tilespmem:s20+$0xFFFFFFC0];
	[tilespmem:s21+$0x1020 ss:$0x81] =	vst.msk $0xffff, v6;
	s20 =	sadd.s32 $0x80, s20  }
0x62: {  	s24 =	sadd.s32 $0x4, s24;
	v0 =	vld [tilespmem:s20+$0x30];
	[tilespmem:s21+$0x1830 ss:$0x81] =	vst.msk $0xffff, v7  }
.Ltmp4:
0x63: {  	_ = 	snop;
	(pc) =	sbr.rel .LBB1_4-.Ltmp4, $1  }
0x64: {  	_ =	sdelay $0x3  }
.LBB1_6:
0x65: {  	_ =	sfence.sel $0x180000  }
0x66: {  	s2 =	simm.s32 $0x1;
	[bflag:$0x0] =	sbarrier.arrive $0xFFFF  }
0x67: {  	s31 =	simm.s32 $0x2;
	[sflag:s2] =	ssyncpa.u1 $0x1  }
0x68: {  	[sflag:s31] =	ssyncpa.u1 $0x1  }
0x69: {  	p0 =	sne.s32 s0, $0x0;
	_ =	strace $0x9000004A  }
0x6a: {  	s0 =	sadd.s32 @!p0 $0x100000, s1;
	[bflag:$0x2] =	sbarrier.arrive $0xFFFF  }
0x6b: {  	[sflag:s0] =	ssyncadd.tile.s32 @!p0 $0x1;
	_ =	shalt  }
.Lfunc_end1:
_tile_overlayer_lowered:
.L_overlay_start_2:
0x6c: {  	(tag) =	ssettag $0x2  }
0x6d: {  	s0 =	rddreg [dreg:$0x0];
	s2 =	stileid.u32  }
0x6e: {  	s1 =	rddreg [dreg:$0x1];
	p0 =	sne.s32 s2, $0x0  }
0x6f: {  	s3 =	rddreg [dreg:$0x2];
	[bflag:$0x3] =	sbarrier.arrive $0xFFFF;
	s2 =	simm.s32 @!p0 $0x1C01  }
0x70: {  	[timem:s3], [sflag:s2] =	dma.local @!p0 [hbm:s0], s1  }
0x71: {  	s0 =	simm.s32 @!p0 $0x1  }
0x72: {  	_ =	swait.ge @!p0 [sflag:s0], s1  }
0x73: {  	s1 =	ssub.s32 @!p0 $0x0, s1;
	[sflag:s0] =	ssyncset.done @!p0 $0x0  }
0x74: {  	[sflag:s0] =	ssyncadd.s32 @!p0 s1  }
0x75: {  	[bflag:$0x3] =	sbarrier.arrive $0xFFFF  }
0x76: {  	_ =	shalt  }

</sc_bundles>
